<compile_context>
chip_gen: v7x
topology: tpu7x:2x2x1
jax: 0.10.2.dev20260603
libtpu: 0.0.44.dev20260713+nightly
codegen_flags: <defaults>
</compile_context>

<pallas_src>
import functools
import jax
import jax.numpy as jnp
from jax import lax
from jax.experimental import pallas as pl
from jax.experimental.pallas import tpu as pltpu, tpu_sc as plsc

N = 10000
E = 320000
D = 128

NC = 2
NS = 16
NW = NC * NS
EPT = E // NW
CH = 64
NFULL = EPT // CH
TAIL = EPT - NFULL * CH
RPT = 624
REM = N - NS * RPT

_F32 = jnp.float32


def _fill_rows(buf, nrows, ncols, value):
    vec = jnp.full((16,), value, dtype=_F32)

    def body(i, c):
        for j in range(ncols // 16):
            buf[i, pl.ds(j * 16, 16)] = vec
        return c

    lax.fori_loop(0, nrows, body, 0)


def _deg_body(dst, degp, acc, buf, didx_a, didx_b, didx_t, sem_a, sem_b):
    cid = lax.axis_index("c")
    sid = lax.axis_index("s")
    wid = sid * NC + cid
    eb = wid * EPT
    rb = sid * RPT

    _fill_rows(buf, CH, 16, 0.0)
    for k in range(RPT // CH):
        pltpu.sync_copy(buf, acc.at[pl.ds(rb + k * CH, CH)])
    rem = RPT - (RPT // CH) * CH
    pltpu.sync_copy(buf.at[pl.ds(0, rem)], acc.at[pl.ds(rb + (RPT // CH) * CH, rem)])

    @pl.when(sid == NS - 1)
    def _():
        pltpu.sync_copy(buf.at[pl.ds(0, REM)], acc.at[pl.ds(NS * RPT, REM)])

    plsc.subcore_barrier()

    _fill_rows(buf, CH, 16, 1.0)
    PAIRS = NFULL // 2

    pltpu.sync_copy(dst.at[pl.ds(eb, CH)], didx_a)

    def pair(t, carry):
        b1 = eb + (2 * t + 1) * CH
        pltpu.async_copy(dst.at[pl.ds(b1, CH)], didx_b, sem_b)
        pltpu.sync_copy(buf, acc.at[didx_a], add=True)
        pltpu.make_async_copy(dst.at[pl.ds(b1, CH)], didx_b, sem_b).wait()

        @pl.when(t < PAIRS - 1)
        def _():
            b2 = eb + (2 * t + 2) * CH
            pltpu.async_copy(dst.at[pl.ds(b2, CH)], didx_a, sem_a)

        pltpu.sync_copy(buf, acc.at[didx_b], add=True)

        @pl.when(t < PAIRS - 1)
        def _():
            b2 = eb + (2 * t + 2) * CH
            pltpu.make_async_copy(dst.at[pl.ds(b2, CH)], didx_a, sem_a).wait()

        return carry

    lax.fori_loop(0, PAIRS, pair, 0)
    pltpu.sync_copy(dst.at[pl.ds(eb + NFULL * CH, TAIL)], didx_t)
    pltpu.sync_copy(buf.at[pl.ds(0, TAIL)], acc.at[didx_t], add=True)

    plsc.subcore_barrier()
    pltpu.sync_copy(acc.at[pl.ds(rb, RPT)], degp.at[cid, pl.ds(rb, RPT)])

    @pl.when(sid == NS - 1)
    def _():
        pltpu.sync_copy(acc.at[pl.ds(NS * RPT, REM)], degp.at[cid, pl.ds(NS * RPT, REM)])


@functools.partial(jax.jit, static_argnums=())
def _deg_call(dst):
    mesh = plsc.VectorSubcoreMesh(core_axis_name="c", subcore_axis_name="s")
    return pl.kernel(
        _deg_body,
        out_type=jax.ShapeDtypeStruct((NC, N, 16), _F32),
        mesh=mesh,
        scratch_types=[
            pltpu.VMEM_SHARED((N, 16), _F32),
            pltpu.VMEM((CH, 16), _F32),
            pltpu.VMEM((CH,), jnp.int32),
            pltpu.VMEM((CH,), jnp.int32),
            pltpu.VMEM((TAIL,), jnp.int32),
            pltpu.SemaphoreType.DMA,
            pltpu.SemaphoreType.DMA,
        ],
    )(dst)


def _agg_body(g, src, dst, outp, acc, rows_a, rows_b, rows_c,
              sall, dall, sem_a, sem_b, sem_c):
    cid = lax.axis_index("c")
    sid = lax.axis_index("s")
    wid = sid * NC + cid
    eb = wid * EPT
    rb = sid * RPT

    pltpu.sync_copy(src.at[pl.ds(eb, EPT)], sall)
    pltpu.sync_copy(dst.at[pl.ds(eb, EPT)], dall)

    _fill_rows(rows_a, CH, D, 0.0)
    for k in range(RPT // CH):
        pltpu.sync_copy(rows_a, acc.at[pl.ds(rb + k * CH, CH)])
    rem = RPT - (RPT // CH) * CH
    pltpu.sync_copy(rows_a.at[pl.ds(0, rem)], acc.at[pl.ds(rb + (RPT // CH) * CH, rem)])

    @pl.when(sid == NS - 1)
    def _():
        pltpu.sync_copy(rows_a.at[pl.ds(0, REM)], acc.at[pl.ds(NS * RPT, REM)])

    plsc.subcore_barrier()

    TRIPLES = NFULL // 3

    pltpu.async_copy(g.at[sall.at[pl.ds(0, CH)]], rows_a, sem_a)
    pltpu.async_copy(g.at[sall.at[pl.ds(CH, CH)]], rows_b, sem_b)

    def triple(t, carry):
        c0 = 3 * t * CH
        pltpu.async_copy(g.at[sall.at[pl.ds(c0 + 2 * CH, CH)]], rows_c, sem_c)

        pltpu.make_async_copy(g.at[sall.at[pl.ds(c0, CH)]], rows_a, sem_a).wait()
        pltpu.sync_copy(rows_a, acc.at[dall.at[pl.ds(c0, CH)]], add=True)

        @pl.when(t < TRIPLES - 1)
        def _():
            pltpu.async_copy(g.at[sall.at[pl.ds(c0 + 3 * CH, CH)]], rows_a, sem_a)

        pltpu.make_async_copy(g.at[sall.at[pl.ds(c0 + CH, CH)]], rows_b, sem_b).wait()
        pltpu.sync_copy(rows_b, acc.at[dall.at[pl.ds(c0 + CH, CH)]], add=True)

        @pl.when(t < TRIPLES - 1)
        def _():
            pltpu.async_copy(g.at[sall.at[pl.ds(c0 + 4 * CH, CH)]], rows_b, sem_b)

        pltpu.make_async_copy(g.at[sall.at[pl.ds(c0 + 2 * CH, CH)]], rows_c, sem_c).wait()
        pltpu.sync_copy(rows_c, acc.at[dall.at[pl.ds(c0 + 2 * CH, CH)]], add=True)
        return carry

    lax.fori_loop(0, TRIPLES, triple, 0)
    tb = NFULL * CH
    pltpu.async_copy(g.at[sall.at[pl.ds(tb, TAIL)]], rows_a.at[pl.ds(0, TAIL)], sem_a).wait()
    pltpu.sync_copy(rows_a.at[pl.ds(0, TAIL)], acc.at[dall.at[pl.ds(tb, TAIL)]], add=True)

    plsc.subcore_barrier()
    pltpu.sync_copy(acc.at[pl.ds(rb, RPT)], outp.at[cid, pl.ds(rb, RPT)])

    @pl.when(sid == NS - 1)
    def _():
        pltpu.sync_copy(acc.at[pl.ds(NS * RPT, REM)], outp.at[cid, pl.ds(NS * RPT, REM)])


def _agg_call(g, src, dst):
    mesh = plsc.VectorSubcoreMesh(core_axis_name="c", subcore_axis_name="s")
    return pl.kernel(
        _agg_body,
        out_type=jax.ShapeDtypeStruct((NC, N, D), _F32),
        mesh=mesh,
        scratch_types=[
            pltpu.VMEM_SHARED((N, D), _F32),
            pltpu.VMEM((CH, D), _F32),
            pltpu.VMEM((CH, D), _F32),
            pltpu.VMEM((CH, D), _F32),
            pltpu.VMEM((EPT,), jnp.int32),
            pltpu.VMEM((EPT,), jnp.int32),
            pltpu.SemaphoreType.DMA,
            pltpu.SemaphoreType.DMA,
            pltpu.SemaphoreType.DMA,
        ],
    )(g, src, dst)


_RB = 2000


def _mm1_body(x_ref, w_ref, degp_ref, g_ref, dinv_ref):
    deg = degp_ref[0, :, :1] + degp_ref[1, :, :1] + 1.0
    dinv = lax.rsqrt(deg)
    h = jnp.dot(x_ref[...], w_ref[...], preferred_element_type=_F32)
    g_ref[...] = h * dinv
    dinv_ref[...] = dinv


def _mm1_call(x, W1, degp):
    return pl.pallas_call(
        _mm1_body,
        grid=(N // _RB,),
        in_specs=[
            pl.BlockSpec((_RB, D), lambda i: (i, 0)),
            pl.BlockSpec((D, D), lambda i: (0, 0)),
            pl.BlockSpec((NC, _RB, 16), lambda i: (0, i, 0)),
        ],
        out_specs=[
            pl.BlockSpec((_RB, D), lambda i: (i, 0)),
            pl.BlockSpec((_RB, 1), lambda i: (i, 0)),
        ],
        out_shape=[
            jax.ShapeDtypeStruct((N, D), _F32),
            jax.ShapeDtypeStruct((N, 1), _F32),
        ],
    )(x, W1, degp)


def _mm2_body(p_ref, g1_ref, dinv_ref, b_ref, w_ref, g2_ref):
    agg = (p_ref[0] + p_ref[1] + g1_ref[...]) * dinv_ref[...] + b_ref[...]
    h = jnp.maximum(agg, 0.0)
    g2_ref[...] = (
        jnp.dot(h, w_ref[...], preferred_element_type=_F32) * dinv_ref[...]
    )


def _mm2_call(p1, g1, dinv, b1, W2):
    return pl.pallas_call(
        _mm2_body,
        grid=(N // _RB,),
        in_specs=[
            pl.BlockSpec((NC, _RB, D), lambda i: (0, i, 0)),
            pl.BlockSpec((_RB, D), lambda i: (i, 0)),
            pl.BlockSpec((_RB, 1), lambda i: (i, 0)),
            pl.BlockSpec((1, D), lambda i: (0, 0)),
            pl.BlockSpec((D, D), lambda i: (0, 0)),
        ],
        out_specs=pl.BlockSpec((_RB, D), lambda i: (i, 0)),
        out_shape=jax.ShapeDtypeStruct((N, D), _F32),
    )(p1, g1, dinv, b1, W2)


def _fin_body(p_ref, g2_ref, dinv_ref, b_ref, o_ref):
    o_ref[...] = (p_ref[0] + p_ref[1] + g2_ref[...]) * dinv_ref[...] + b_ref[...]


def _fin_call(p2, g2, dinv, b2):
    return pl.pallas_call(
        _fin_body,
        grid=(N // _RB,),
        in_specs=[
            pl.BlockSpec((NC, _RB, D), lambda i: (0, i, 0)),
            pl.BlockSpec((_RB, D), lambda i: (i, 0)),
            pl.BlockSpec((_RB, 1), lambda i: (i, 0)),
            pl.BlockSpec((1, D), lambda i: (0, 0)),
        ],
        out_specs=pl.BlockSpec((_RB, D), lambda i: (i, 0)),
        out_shape=jax.ShapeDtypeStruct((N, D), _F32),
    )(p2, g2, dinv, b2)


def kernel(x, edge_index, W1, b1, W2, b2):
    src = edge_index[0]
    dst = edge_index[1]
    degp = _deg_call(dst)
    g1, dinv = _mm1_call(x, W1, degp)
    p1 = _agg_call(g1, src, dst)
    g2 = _mm2_call(p1, g1, dinv, b1.reshape(1, D), W2)
    p2 = _agg_call(g2, src, dst)
    return _fin_call(p2, g2, dinv, b2.reshape(1, D))

# --- scband reference (transcript-rebuilt; emitter-appended) ---
"""Pipeline reference for scband-gcn-89172111000056 (READ-ONLY COPY).

The authoritative reference and input builder live on the scoring server;
editing this copy changes nothing except your own understanding.
"""

import jax, jax.numpy as jnp
import numpy as np

N = 10000
E = 320000
D_IN = 128
D_HID = 128
D_OUT = 128


def setup_inputs(seed: int = 0) -> dict:
    key = jax.random.key(seed)
    k1, k2, k3, k4, k5, k6 = jax.random.split(key, 6)
    x = jax.random.normal(k1, (N, D_IN), dtype=jnp.float32)
    edge_index = jax.random.randint(k2, (2, E), 0, N, dtype=jnp.int32)
    # GCNConv layer 1: linear weight (glorot-ish) + bias (applied after aggregation)
    W1 = jax.random.normal(k3, (D_IN, D_HID), dtype=jnp.float32) * (1.0 / np.sqrt(D_IN))
    b1 = jnp.zeros((D_HID,), dtype=jnp.float32)
    # GCNConv layer 2
    W2 = jax.random.normal(k4, (D_HID, D_OUT), dtype=jnp.float32) * (1.0 / np.sqrt(D_HID))
    b2 = jnp.zeros((D_OUT,), dtype=jnp.float32)
    return {"x": x, "edge_index": edge_index, "W1": W1, "b1": b1, "W2": W2, "b2": b2}


def reference(x, edge_index, W1, b1, W2, b2):
    # GCN forward (eval mode: dropout p=0.0, batch norm disabled via args.no_batch_norm=True).
    # Each GCNConv: add self loops, symmetric normalization D^-1/2 A D^-1/2, lin -> propagate -> +bias.
    src = edge_index[0]
    dst = edge_index[1]
    loops = jnp.arange(N, dtype=src.dtype)
    src2 = jnp.concatenate([src, loops])
    dst2 = jnp.concatenate([dst, loops])
    ones = jnp.ones((src2.shape[0],), dtype=x.dtype)
    deg = jax.ops.segment_sum(ones, dst2, num_segments=N)
    dinv = jnp.where(deg > 0, jax.lax.rsqrt(jnp.where(deg > 0, deg, 1.0)), 0.0)
    norm = dinv[src2] * dinv[dst2]

    def gcn_conv(h, W, b):
        h = h @ W
        msg = h[src2] * norm[:, None]
        agg = jax.ops.segment_sum(msg, dst2, num_segments=N)
        return agg + b

    h = gcn_conv(x, W1, b1)
    h = jax.nn.relu(h)
    out = gcn_conv(h, W2, b2)
    return out

if __name__ == "__main__":
    import jax
    _d = setup_inputs()
    print(jax.jit(kernel)(*tuple(_d.values())))

</pallas_src>

<mosaic_0001>
#map = affine_map<(d0, d1) -> (0)>
#map1 = affine_map<(d0, d1) -> (0, 0, 0)>
module attributes {stable_mosaic.version = 14 : i64} {
  func.func @_deg_body(%arg0: i32, %arg1: i32, %arg2: memref<320000xi32, #tpu.memory_space<hbm>>, %arg3: memref<2x10000x16xf32, #tpu.memory_space<hbm>>, %arg4: memref<10000x16xf32, #tpu.memory_space<vmem_shared>>, %arg5: memref<64x16xf32, #tpu.memory_space<vmem>>, %arg6: memref<64xi32, #tpu.memory_space<vmem>>, %arg7: memref<64xi32, #tpu.memory_space<vmem>>, %arg8: memref<16xi32, #tpu.memory_space<vmem>>, %arg9: memref<!tpu.dma_semaphore, #tpu.memory_space<semaphore_mem>>, %arg10: memref<!tpu.dma_semaphore, #tpu.memory_space<semaphore_mem>>) attributes {dimension_semantics = [#tpu.dimension_semantics<core_parallel>, #tpu.dimension_semantics<subcore_parallel>], iteration_bounds = array<i64: 2, 16>, scalar_prefetch = 0 : i64, scratch_operands = 7 : i64, tpu.core_type = #tpu.core_type<sc_vector_subcore>, window_params = [{transform_indices = #map}, {transform_indices = #map1}]} {
    %mul3A = arith.constant 2 : i32
    %mul3A_0 = arith.muli %arg1, %mul3A : i32
    %add3A = arith.addi %mul3A_0, %arg0 : i32
    %mul3A_1 = arith.constant 10000 : i32
    %mul3A_2 = arith.muli %add3A, %mul3A_1 : i32
    %mul3A_3 = arith.constant 624 : i32
    %mul3A_4 = arith.muli %arg1, %mul3A_3 : i32
    %broadcast_in_dim3A = arith.constant 0.000000e+00 : f32
    %broadcast_in_dim3A_5 = vector.broadcast %broadcast_in_dim3A : f32 to vector<16xf32>
    %scan3A = arith.constant 0 : i32
    %scan3A_6 = arith.constant 0 : i32
    %scan3A_7 = arith.constant 64 : i32
    %scan3A_8 = arith.addi %scan3A_6, %scan3A_7 : i32
    %scan3A_9 = arith.constant 1 : i32
    scf.for %scan3A_55 = %scan3A_6 to %scan3A_8 step %scan3A_9  : i32 {
      %swap3A = arith.index_cast %scan3A_55 : i32 to index
      %swap3A_56 = arith.constant 0 : index
      %swap3A_57 = tpu.vector_load %arg5[%swap3A, %swap3A_56] {strides = array<i32>} : memref<64x16xf32, #tpu.memory_space<vmem>>, vector<1x16xf32>,
      %swap3A_58 = vector.shape_cast %swap3A_57 : vector<1x16xf32> to vector<16xf32>
      %swap3A_59 = vector.shape_cast %broadcast_in_dim3A_5 : vector<16xf32> to vector<1x16xf32>
      tpu.vector_store %arg5[%swap3A, %swap3A_56], %swap3A_59 {strides = array<i32>} : memref<64x16xf32, #tpu.memory_space<vmem>>, vector<1x16xf32>,
    }
    %scan3A_10 = arith.constant 64 : i32
    %add3A_11 = arith.constant 0 : i32
    %add3A_12 = arith.addi %mul3A_4, %add3A_11 : i32
    "tpu.region"() ({
      %run_scoped3A = tpu.sem_alloc : memref<!tpu.dma_semaphore, #tpu.memory_space<semaphore_mem>>
      %dma_start3A = arith.constant 0 : i32
      %dma_start3A_55 = tpu.memref_slice %arg4[%add3A_12, %dma_start3A] : memref<10000x16xf32, #tpu.memory_space<vmem_shared>> -> memref<64x16xf32, #tpu.memory_space<vmem_shared>>
      %dma_start3A_56 = arith.constant 0 : i32
      %dma_start3A_57 = tpu.memref_slice %arg4[%add3A_12, %dma_start3A_56] : memref<10000x16xf32, #tpu.memory_space<vmem_shared>> -> memref<64x16xf32, #tpu.memory_space<vmem_shared>>
      tpu.enqueue_dma source(%arg5 : memref<64x16xf32, #tpu.memory_space<vmem>>) target(%dma_start3A_57 : memref<64x16xf32, #tpu.memory_space<vmem_shared>>) target_semaphore(%run_scoped3A : memref<!tpu.dma_semaphore, #tpu.memory_space<semaphore_mem>>)
      %dma_wait3A = arith.constant 0 : i32
      %dma_wait3A_58 = tpu.memref_slice %arg4[%add3A_12, %dma_wait3A] : memref<10000x16xf32, #tpu.memory_space<vmem_shared>> -> memref<64x16xf32, #tpu.memory_space<vmem_shared>>
      %dma_wait3A_59 = arith.constant 0 : i32
      %dma_wait3A_60 = tpu.memref_slice %arg4[%add3A_12, %dma_wait3A_59] : memref<10000x16xf32, #tpu.memory_space<vmem_shared>> -> memref<64x16xf32, #tpu.memory_space<vmem_shared>>
      tpu.wait_dma2 semaphore(%run_scoped3A : memref<!tpu.dma_semaphore, #tpu.memory_space<semaphore_mem>>) src(%arg5 : memref<64x16xf32, #tpu.memory_space<vmem>>) dst(%dma_wait3A_60 : memref<64x16xf32, #tpu.memory_space<vmem_shared>>)
      tpu.yield
    }) : () -> ()
    %add3A_13 = arith.constant 64 : i32
    %add3A_14 = arith.addi %mul3A_4, %add3A_13 : i32
    "tpu.region"() ({
      %run_scoped3A = tpu.sem_alloc : memref<!tpu.dma_semaphore, #tpu.memory_space<semaphore_mem>>
      %dma_start3A = arith.constant 0 : i32
      %dma_start3A_55 = tpu.memref_slice %arg4[%add3A_14, %dma_start3A] : memref<10000x16xf32, #tpu.memory_space<vmem_shared>> -> memref<64x16xf32, #tpu.memory_space<vmem_shared>>
      %dma_start3A_56 = arith.constant 0 : i32
      %dma_start3A_57 = tpu.memref_slice %arg4[%add3A_14, %dma_start3A_56] : memref<10000x16xf32, #tpu.memory_space<vmem_shared>> -> memref<64x16xf32, #tpu.memory_space<vmem_shared>>
      tpu.enqueue_dma source(%arg5 : memref<64x16xf32, #tpu.memory_space<vmem>>) target(%dma_start3A_57 : memref<64x16xf32, #tpu.memory_space<vmem_shared>>) target_semaphore(%run_scoped3A : memref<!tpu.dma_semaphore, #tpu.memory_space<semaphore_mem>>)
      %dma_wait3A = arith.constant 0 : i32
      %dma_wait3A_58 = tpu.memref_slice %arg4[%add3A_14, %dma_wait3A] : memref<10000x16xf32, #tpu.memory_space<vmem_shared>> -> memref<64x16xf32, #tpu.memory_space<vmem_shared>>
      %dma_wait3A_59 = arith.constant 0 : i32
      %dma_wait3A_60 = tpu.memref_slice %arg4[%add3A_14, %dma_wait3A_59] : memref<10000x16xf32, #tpu.memory_space<vmem_shared>> -> memref<64x16xf32, #tpu.memory_space<vmem_shared>>
      tpu.wait_dma2 semaphore(%run_scoped3A : memref<!tpu.dma_semaphore, #tpu.memory_space<semaphore_mem>>) src(%arg5 : memref<64x16xf32, #tpu.memory_space<vmem>>) dst(%dma_wait3A_60 : memref<64x16xf32, #tpu.memory_space<vmem_shared>>)
      tpu.yield
    }) : () -> ()
    %add3A_15 = arith.constant 128 : i32
    %add3A_16 = arith.addi %mul3A_4, %add3A_15 : i32
    "tpu.region"() ({
      %run_scoped3A = tpu.sem_alloc : memref<!tpu.dma_semaphore, #tpu.memory_space<semaphore_mem>>
      %dma_start3A = arith.constant 0 : i32
      %dma_start3A_55 = tpu.memref_slice %arg4[%add3A_16, %dma_start3A] : memref<10000x16xf32, #tpu.memory_space<vmem_shared>> -> memref<64x16xf32, #tpu.memory_space<vmem_shared>>
      %dma_start3A_56 = arith.constant 0 : i32
      %dma_start3A_57 = tpu.memref_slice %arg4[%add3A_16, %dma_start3A_56] : memref<10000x16xf32, #tpu.memory_space<vmem_shared>> -> memref<64x16xf32, #tpu.memory_space<vmem_shared>>
      tpu.enqueue_dma source(%arg5 : memref<64x16xf32, #tpu.memory_space<vmem>>) target(%dma_start3A_57 : memref<64x16xf32, #tpu.memory_space<vmem_shared>>) target_semaphore(%run_scoped3A : memref<!tpu.dma_semaphore, #tpu.memory_space<semaphore_mem>>)
      %dma_wait3A = arith.constant 0 : i32
      %dma_wait3A_58 = tpu.memref_slice %arg4[%add3A_16, %dma_wait3A] : memref<10000x16xf32, #tpu.memory_space<vmem_shared>> -> memref<64x16xf32, #tpu.memory_space<vmem_shared>>
      %dma_wait3A_59 = arith.constant 0 : i32
      %dma_wait3A_60 = tpu.memref_slice %arg4[%add3A_16, %dma_wait3A_59] : memref<10000x16xf32, #tpu.memory_space<vmem_shared>> -> memref<64x16xf32, #tpu.memory_space<vmem_shared>>
      tpu.wait_dma2 semaphore(%run_scoped3A : memref<!tpu.dma_semaphore, #tpu.memory_space<semaphore_mem>>) src(%arg5 : memref<64x16xf32, #tpu.memory_space<vmem>>) dst(%dma_wait3A_60 : memref<64x16xf32, #tpu.memory_space<vmem_shared>>)
      tpu.yield
    }) : () -> ()
    %add3A_17 = arith.constant 192 : i32
    %add3A_18 = arith.addi %mul3A_4, %add3A_17 : i32
    "tpu.region"() ({
      %run_scoped3A = tpu.sem_alloc : memref<!tpu.dma_semaphore, #tpu.memory_space<semaphore_mem>>
      %dma_start3A = arith.constant 0 : i32
      %dma_start3A_55 = tpu.memref_slice %arg4[%add3A_18, %dma_start3A] : memref<10000x16xf32, #tpu.memory_space<vmem_shared>> -> memref<64x16xf32, #tpu.memory_space<vmem_shared>>
      %dma_start3A_56 = arith.constant 0 : i32
      %dma_start3A_57 = tpu.memref_slice %arg4[%add3A_18, %dma_start3A_56] : memref<10000x16xf32, #tpu.memory_space<vmem_shared>> -> memref<64x16xf32, #tpu.memory_space<vmem_shared>>
      tpu.enqueue_dma source(%arg5 : memref<64x16xf32, #tpu.memory_space<vmem>>) target(%dma_start3A_57 : memref<64x16xf32, #tpu.memory_space<vmem_shared>>) target_semaphore(%run_scoped3A : memref<!tpu.dma_semaphore, #tpu.memory_space<semaphore_mem>>)
      %dma_wait3A = arith.constant 0 : i32
      %dma_wait3A_58 = tpu.memref_slice %arg4[%add3A_18, %dma_wait3A] : memref<10000x16xf32, #tpu.memory_space<vmem_shared>> -> memref<64x16xf32, #tpu.memory_space<vmem_shared>>
      %dma_wait3A_59 = arith.constant 0 : i32
      %dma_wait3A_60 = tpu.memref_slice %arg4[%add3A_18, %dma_wait3A_59] : memref<10000x16xf32, #tpu.memory_space<vmem_shared>> -> memref<64x16xf32, #tpu.memory_space<vmem_shared>>
      tpu.wait_dma2 semaphore(%run_scoped3A : memref<!tpu.dma_semaphore, #tpu.memory_space<semaphore_mem>>) src(%arg5 : memref<64x16xf32, #tpu.memory_space<vmem>>) dst(%dma_wait3A_60 : memref<64x16xf32, #tpu.memory_space<vmem_shared>>)
      tpu.yield
    }) : () -> ()
    %add3A_19 = arith.constant 256 : i32
    %add3A_20 = arith.addi %mul3A_4, %add3A_19 : i32
    "tpu.region"() ({
      %run_scoped3A = tpu.sem_alloc : memref<!tpu.dma_semaphore, #tpu.memory_space<semaphore_mem>>
      %dma_start3A = arith.constant 0 : i32
      %dma_start3A_55 = tpu.memref_slice %arg4[%add3A_20, %dma_start3A] : memref<10000x16xf32, #tpu.memory_space<vmem_shared>> -> memref<64x16xf32, #tpu.memory_space<vmem_shared>>
      %dma_start3A_56 = arith.constant 0 : i32
      %dma_start3A_57 = tpu.memref_slice %arg4[%add3A_20, %dma_start3A_56] : memref<10000x16xf32, #tpu.memory_space<vmem_shared>> -> memref<64x16xf32, #tpu.memory_space<vmem_shared>>
      tpu.enqueue_dma source(%arg5 : memref<64x16xf32, #tpu.memory_space<vmem>>) target(%dma_start3A_57 : memref<64x16xf32, #tpu.memory_space<vmem_shared>>) target_semaphore(%run_scoped3A : memref<!tpu.dma_semaphore, #tpu.memory_space<semaphore_mem>>)
      %dma_wait3A = arith.constant 0 : i32
      %dma_wait3A_58 = tpu.memref_slice %arg4[%add3A_20, %dma_wait3A] : memref<10000x16xf32, #tpu.memory_space<vmem_shared>> -> memref<64x16xf32, #tpu.memory_space<vmem_shared>>
      %dma_wait3A_59 = arith.constant 0 : i32
      %dma_wait3A_60 = tpu.memref_slice %arg4[%add3A_20, %dma_wait3A_59] : memref<10000x16xf32, #tpu.memory_space<vmem_shared>> -> memref<64x16xf32, #tpu.memory_space<vmem_shared>>
      tpu.wait_dma2 semaphore(%run_scoped3A : memref<!tpu.dma_semaphore, #tpu.memory_space<semaphore_mem>>) src(%arg5 : memref<64x16xf32, #tpu.memory_space<vmem>>) dst(%dma_wait3A_60 : memref<64x16xf32, #tpu.memory_space<vmem_shared>>)
      tpu.yield
    }) : () -> ()
    %add3A_21 = arith.constant 320 : i32
    %add3A_22 = arith.addi %mul3A_4, %add3A_21 : i32
    "tpu.region"() ({
      %run_scoped3A = tpu.sem_alloc : memref<!tpu.dma_semaphore, #tpu.memory_space<semaphore_mem>>
      %dma_start3A = arith.constant 0 : i32
      %dma_start3A_55 = tpu.memref_slice %arg4[%add3A_22, %dma_start3A] : memref<10000x16xf32, #tpu.memory_space<vmem_shared>> -> memref<64x16xf32, #tpu.memory_space<vmem_shared>>
      %dma_start3A_56 = arith.constant 0 : i32
      %dma_start3A_57 = tpu.memref_slice %arg4[%add3A_22, %dma_start3A_56] : memref<10000x16xf32, #tpu.memory_space<vmem_shared>> -> memref<64x16xf32, #tpu.memory_space<vmem_shared>>
      tpu.enqueue_dma source(%arg5 : memref<64x16xf32, #tpu.memory_space<vmem>>) target(%dma_start3A_57 : memref<64x16xf32, #tpu.memory_space<vmem_shared>>) target_semaphore(%run_scoped3A : memref<!tpu.dma_semaphore, #tpu.memory_space<semaphore_mem>>)
      %dma_wait3A = arith.constant 0 : i32
      %dma_wait3A_58 = tpu.memref_slice %arg4[%add3A_22, %dma_wait3A] : memref<10000x16xf32, #tpu.memory_space<vmem_shared>> -> memref<64x16xf32, #tpu.memory_space<vmem_shared>>
      %dma_wait3A_59 = arith.constant 0 : i32
      %dma_wait3A_60 = tpu.memref_slice %arg4[%add3A_22, %dma_wait3A_59] : memref<10000x16xf32, #tpu.memory_space<vmem_shared>> -> memref<64x16xf32, #tpu.memory_space<vmem_shared>>
      tpu.wait_dma2 semaphore(%run_scoped3A : memref<!tpu.dma_semaphore, #tpu.memory_space<semaphore_mem>>) src(%arg5 : memref<64x16xf32, #tpu.memory_space<vmem>>) dst(%dma_wait3A_60 : memref<64x16xf32, #tpu.memory_space<vmem_shared>>)
      tpu.yield
    }) : () -> ()
    %add3A_23 = arith.constant 384 : i32
    %add3A_24 = arith.addi %mul3A_4, %add3A_23 : i32
    "tpu.region"() ({
      %run_scoped3A = tpu.sem_alloc : memref<!tpu.dma_semaphore, #tpu.memory_space<semaphore_mem>>
      %dma_start3A = arith.constant 0 : i32
      %dma_start3A_55 = tpu.memref_slice %arg4[%add3A_24, %dma_start3A] : memref<10000x16xf32, #tpu.memory_space<vmem_shared>> -> memref<64x16xf32, #tpu.memory_space<vmem_shared>>
      %dma_start3A_56 = arith.constant 0 : i32
      %dma_start3A_57 = tpu.memref_slice %arg4[%add3A_24, %dma_start3A_56] : memref<10000x16xf32, #tpu.memory_space<vmem_shared>> -> memref<64x16xf32, #tpu.memory_space<vmem_shared>>
      tpu.enqueue_dma source(%arg5 : memref<64x16xf32, #tpu.memory_space<vmem>>) target(%dma_start3A_57 : memref<64x16xf32, #tpu.memory_space<vmem_shared>>) target_semaphore(%run_scoped3A : memref<!tpu.dma_semaphore, #tpu.memory_space<semaphore_mem>>)
      %dma_wait3A = arith.constant 0 : i32
      %dma_wait3A_58 = tpu.memref_slice %arg4[%add3A_24, %dma_wait3A] : memref<10000x16xf32, #tpu.memory_space<vmem_shared>> -> memref<64x16xf32, #tpu.memory_space<vmem_shared>>
      %dma_wait3A_59 = arith.constant 0 : i32
      %dma_wait3A_60 = tpu.memref_slice %arg4[%add3A_24, %dma_wait3A_59] : memref<10000x16xf32, #tpu.memory_space<vmem_shared>> -> memref<64x16xf32, #tpu.memory_space<vmem_shared>>
      tpu.wait_dma2 semaphore(%run_scoped3A : memref<!tpu.dma_semaphore, #tpu.memory_space<semaphore_mem>>) src(%arg5 : memref<64x16xf32, #tpu.memory_space<vmem>>) dst(%dma_wait3A_60 : memref<64x16xf32, #tpu.memory_space<vmem_shared>>)
      tpu.yield
    }) : () -> ()
    %add3A_25 = arith.constant 448 : i32
    %add3A_26 = arith.addi %mul3A_4, %add3A_25 : i32
    "tpu.region"() ({
      %run_scoped3A = tpu.sem_alloc : memref<!tpu.dma_semaphore, #tpu.memory_space<semaphore_mem>>
      %dma_start3A = arith.constant 0 : i32
      %dma_start3A_55 = tpu.memref_slice %arg4[%add3A_26, %dma_start3A] : memref<10000x16xf32, #tpu.memory_space<vmem_shared>> -> memref<64x16xf32, #tpu.memory_space<vmem_shared>>
      %dma_start3A_56 = arith.constant 0 : i32
      %dma_start3A_57 = tpu.memref_slice %arg4[%add3A_26, %dma_start3A_56] : memref<10000x16xf32, #tpu.memory_space<vmem_shared>> -> memref<64x16xf32, #tpu.memory_space<vmem_shared>>
      tpu.enqueue_dma source(%arg5 : memref<64x16xf32, #tpu.memory_space<vmem>>) target(%dma_start3A_57 : memref<64x16xf32, #tpu.memory_space<vmem_shared>>) target_semaphore(%run_scoped3A : memref<!tpu.dma_semaphore, #tpu.memory_space<semaphore_mem>>)
      %dma_wait3A = arith.constant 0 : i32
      %dma_wait3A_58 = tpu.memref_slice %arg4[%add3A_26, %dma_wait3A] : memref<10000x16xf32, #tpu.memory_space<vmem_shared>> -> memref<64x16xf32, #tpu.memory_space<vmem_shared>>
      %dma_wait3A_59 = arith.constant 0 : i32
      %dma_wait3A_60 = tpu.memref_slice %arg4[%add3A_26, %dma_wait3A_59] : memref<10000x16xf32, #tpu.memory_space<vmem_shared>> -> memref<64x16xf32, #tpu.memory_space<vmem_shared>>
      tpu.wait_dma2 semaphore(%run_scoped3A : memref<!tpu.dma_semaphore, #tpu.memory_space<semaphore_mem>>) src(%arg5 : memref<64x16xf32, #tpu.memory_space<vmem>>) dst(%dma_wait3A_60 : memref<64x16xf32, #tpu.memory_space<vmem_shared>>)
      tpu.yield
    }) : () -> ()
    %add3A_27 = arith.constant 512 : i32
    %add3A_28 = arith.addi %mul3A_4, %add3A_27 : i32
    "tpu.region"() ({
      %run_scoped3A = tpu.sem_alloc : memref<!tpu.dma_semaphore, #tpu.memory_space<semaphore_mem>>
      %dma_start3A = arith.constant 0 : i32
      %dma_start3A_55 = tpu.memref_slice %arg4[%add3A_28, %dma_start3A] : memref<10000x16xf32, #tpu.memory_space<vmem_shared>> -> memref<64x16xf32, #tpu.memory_space<vmem_shared>>
      %dma_start3A_56 = arith.constant 0 : i32
      %dma_start3A_57 = tpu.memref_slice %arg4[%add3A_28, %dma_start3A_56] : memref<10000x16xf32, #tpu.memory_space<vmem_shared>> -> memref<64x16xf32, #tpu.memory_space<vmem_shared>>
      tpu.enqueue_dma source(%arg5 : memref<64x16xf32, #tpu.memory_space<vmem>>) target(%dma_start3A_57 : memref<64x16xf32, #tpu.memory_space<vmem_shared>>) target_semaphore(%run_scoped3A : memref<!tpu.dma_semaphore, #tpu.memory_space<semaphore_mem>>)
      %dma_wait3A = arith.constant 0 : i32
      %dma_wait3A_58 = tpu.memref_slice %arg4[%add3A_28, %dma_wait3A] : memref<10000x16xf32, #tpu.memory_space<vmem_shared>> -> memref<64x16xf32, #tpu.memory_space<vmem_shared>>
      %dma_wait3A_59 = arith.constant 0 : i32
      %dma_wait3A_60 = tpu.memref_slice %arg4[%add3A_28, %dma_wait3A_59] : memref<10000x16xf32, #tpu.memory_space<vmem_shared>> -> memref<64x16xf32, #tpu.memory_space<vmem_shared>>
      tpu.wait_dma2 semaphore(%run_scoped3A : memref<!tpu.dma_semaphore, #tpu.memory_space<semaphore_mem>>) src(%arg5 : memref<64x16xf32, #tpu.memory_space<vmem>>) dst(%dma_wait3A_60 : memref<64x16xf32, #tpu.memory_space<vmem_shared>>)
      tpu.yield
    }) : () -> ()
    %add3A_29 = arith.constant 576 : i32
    %add3A_30 = arith.addi %mul3A_4, %add3A_29 : i32
    "tpu.region"() ({
      %run_scoped3A = tpu.sem_alloc : memref<!tpu.dma_semaphore, #tpu.memory_space<semaphore_mem>>
      %dma_start3A = arith.constant 0 : i32
      %dma_start3A_55 = arith.constant 0 : i32
      %dma_start3A_56 = tpu.memref_slice %arg5[%dma_start3A, %dma_start3A_55] : memref<64x16xf32, #tpu.memory_space<vmem>> -> memref<48x16xf32, #tpu.memory_space<vmem>>
      %dma_start3A_57 = arith.constant 0 : i32
      %dma_start3A_58 = tpu.memref_slice %arg4[%add3A_30, %dma_start3A_57] : memref<10000x16xf32, #tpu.memory_space<vmem_shared>> -> memref<48x16xf32, #tpu.memory_space<vmem_shared>>
      %dma_start3A_59 = arith.constant 0 : i32
      %dma_start3A_60 = tpu.memref_slice %arg4[%add3A_30, %dma_start3A_59] : memref<10000x16xf32, #tpu.memory_space<vmem_shared>> -> memref<48x16xf32, #tpu.memory_space<vmem_shared>>
      %dma_start3A_61 = arith.constant 0 : i32
      %dma_start3A_62 = arith.constant 0 : i32
      %dma_start3A_63 = tpu.memref_slice %arg5[%dma_start3A_61, %dma_start3A_62] : memref<64x16xf32, #tpu.memory_space<vmem>> -> memref<48x16xf32, #tpu.memory_space<vmem>>
      tpu.enqueue_dma source(%dma_start3A_63 : memref<48x16xf32, #tpu.memory_space<vmem>>) target(%dma_start3A_60 : memref<48x16xf32, #tpu.memory_space<vmem_shared>>) target_semaphore(%run_scoped3A : memref<!tpu.dma_semaphore, #tpu.memory_space<semaphore_mem>>)
      %dma_wait3A = arith.constant 0 : i32
      %dma_wait3A_64 = arith.constant 0 : i32
      %dma_wait3A_65 = tpu.memref_slice %arg5[%dma_wait3A, %dma_wait3A_64] : memref<64x16xf32, #tpu.memory_space<vmem>> -> memref<48x16xf32, #tpu.memory_space<vmem>>
      %dma_wait3A_66 = arith.constant 0 : i32
      %dma_wait3A_67 = tpu.memref_slice %arg4[%add3A_30, %dma_wait3A_66] : memref<10000x16xf32, #tpu.memory_space<vmem_shared>> -> memref<48x16xf32, #tpu.memory_space<vmem_shared>>
      %dma_wait3A_68 = arith.constant 0 : i32
      %dma_wait3A_69 = tpu.memref_slice %arg4[%add3A_30, %dma_wait3A_68] : memref<10000x16xf32, #tpu.memory_space<vmem_shared>> -> memref<48x16xf32, #tpu.memory_space<vmem_shared>>
      %dma_wait3A_70 = arith.constant 0 : i32
      %dma_wait3A_71 = arith.constant 0 : i32
      %dma_wait3A_72 = tpu.memref_slice %arg5[%dma_wait3A_70, %dma_wait3A_71] : memref<64x16xf32, #tpu.memory_space<vmem>> -> memref<48x16xf32, #tpu.memory_space<vmem>>
      tpu.wait_dma2 semaphore(%run_scoped3A : memref<!tpu.dma_semaphore, #tpu.memory_space<semaphore_mem>>) src(%dma_wait3A_72 : memref<48x16xf32, #tpu.memory_space<vmem>>) dst(%dma_wait3A_69 : memref<48x16xf32, #tpu.memory_space<vmem_shared>>)
      tpu.yield
    }) : () -> ()
    %eq3A = arith.constant 15 : i32
    %eq3A_31 = arith.cmpi eq, %arg1, %eq3A : i32
    %convert_element_type3A = arith.extui %eq3A_31 : i1 to i32
    %cond3A = arith.constant 0 : i32
    %cond3A_32 = arith.cmpi ne, %convert_element_type3A, %cond3A : i32
    scf.if %cond3A_32 {
      "tpu.region"() ({
        %run_scoped3A = tpu.sem_alloc : memref<!tpu.dma_semaphore, #tpu.memory_space<semaphore_mem>>
        %dma_start3A = arith.constant 0 : i32
        %dma_start3A_55 = arith.constant 0 : i32
        %dma_start3A_56 = tpu.memref_slice %arg5[%dma_start3A, %dma_start3A_55] : memref<64x16xf32, #tpu.memory_space<vmem>> -> memref<16x16xf32, #tpu.memory_space<vmem>>
        %dma_start3A_57 = arith.constant 9984 : i32
        %dma_start3A_58 = arith.constant 0 : i32
        %dma_start3A_59 = tpu.memref_slice %arg4[%dma_start3A_57, %dma_start3A_58] : memref<10000x16xf32, #tpu.memory_space<vmem_shared>> -> memref<16x16xf32, #tpu.memory_space<vmem_shared>>
        %dma_start3A_60 = arith.constant 9984 : i32
        %dma_start3A_61 = arith.constant 0 : i32
        %dma_start3A_62 = tpu.memref_slice %arg4[%dma_start3A_60, %dma_start3A_61] : memref<10000x16xf32, #tpu.memory_space<vmem_shared>> -> memref<16x16xf32, #tpu.memory_space<vmem_shared>>
        %dma_start3A_63 = arith.constant 0 : i32
        %dma_start3A_64 = arith.constant 0 : i32
        %dma_start3A_65 = tpu.memref_slice %arg5[%dma_start3A_63, %dma_start3A_64] : memref<64x16xf32, #tpu.memory_space<vmem>> -> memref<16x16xf32, #tpu.memory_space<vmem>>
        tpu.enqueue_dma source(%dma_start3A_65 : memref<16x16xf32, #tpu.memory_space<vmem>>) target(%dma_start3A_62 : memref<16x16xf32, #tpu.memory_space<vmem_shared>>) target_semaphore(%run_scoped3A : memref<!tpu.dma_semaphore, #tpu.memory_space<semaphore_mem>>)
        %dma_wait3A = arith.constant 0 : i32
        %dma_wait3A_66 = arith.constant 0 : i32
        %dma_wait3A_67 = tpu.memref_slice %arg5[%dma_wait3A, %dma_wait3A_66] : memref<64x16xf32, #tpu.memory_space<vmem>> -> memref<16x16xf32, #tpu.memory_space<vmem>>
        %dma_wait3A_68 = arith.constant 9984 : i32
        %dma_wait3A_69 = arith.constant 0 : i32
        %dma_wait3A_70 = tpu.memref_slice %arg4[%dma_wait3A_68, %dma_wait3A_69] : memref<10000x16xf32, #tpu.memory_space<vmem_shared>> -> memref<16x16xf32, #tpu.memory_space<vmem_shared>>
        %dma_wait3A_71 = arith.constant 9984 : i32
        %dma_wait3A_72 = arith.constant 0 : i32
        %dma_wait3A_73 = tpu.memref_slice %arg4[%dma_wait3A_71, %dma_wait3A_72] : memref<10000x16xf32, #tpu.memory_space<vmem_shared>> -> memref<16x16xf32, #tpu.memory_space<vmem_shared>>
        %dma_wait3A_74 = arith.constant 0 : i32
        %dma_wait3A_75 = arith.constant 0 : i32
        %dma_wait3A_76 = tpu.memref_slice %arg5[%dma_wait3A_74, %dma_wait3A_75] : memref<64x16xf32, #tpu.memory_space<vmem>> -> memref<16x16xf32, #tpu.memory_space<vmem>>
        tpu.wait_dma2 semaphore(%run_scoped3A : memref<!tpu.dma_semaphore, #tpu.memory_space<semaphore_mem>>) src(%dma_wait3A_76 : memref<16x16xf32, #tpu.memory_space<vmem>>) dst(%dma_wait3A_73 : memref<16x16xf32, #tpu.memory_space<vmem_shared>>)
        tpu.yield
      }) : () -> ()
    } else {
    }
    %barrier3A = arith.constant 0 : index
    tpu.barrier barrier_id(%barrier3A)
    %broadcast_in_dim3A_33 = arith.constant 1.000000e+00 : f32
    %broadcast_in_dim3A_34 = vector.broadcast %broadcast_in_dim3A_33 : f32 to vector<16xf32>
    %scan3A_35 = arith.constant 0 : i32
    %scan3A_36 = arith.constant 0 : i32
    %scan3A_37 = arith.constant 64 : i32
    %scan3A_38 = arith.addi %scan3A_36, %scan3A_37 : i32
    %scan3A_39 = arith.constant 1 : i32
    scf.for %scan3A_55 = %scan3A_36 to %scan3A_38 step %scan3A_39  : i32 {
      %swap3A = arith.index_cast %scan3A_55 : i32 to index
      %swap3A_56 = arith.constant 0 : index
      %swap3A_57 = tpu.vector_load %arg5[%swap3A, %swap3A_56] {strides = array<i32>} : memref<64x16xf32, #tpu.memory_space<vmem>>, vector<1x16xf32>,
      %swap3A_58 = vector.shape_cast %swap3A_57 : vector<1x16xf32> to vector<16xf32>
      %swap3A_59 = vector.shape_cast %broadcast_in_dim3A_34 : vector<16xf32> to vector<1x16xf32>
      tpu.vector_store %arg5[%swap3A, %swap3A_56], %swap3A_59 {strides = array<i32>} : memref<64x16xf32, #tpu.memory_space<vmem>>, vector<1x16xf32>,
    }
    %scan3A_40 = arith.constant 64 : i32
    "tpu.region"() ({
      %run_scoped3A = tpu.sem_alloc : memref<!tpu.dma_semaphore, #tpu.memory_space<semaphore_mem>>
      %dma_start3A = tpu.memref_slice %arg2[%mul3A_2] : memref<320000xi32, #tpu.memory_space<hbm>> -> memref<64xi32, #tpu.memory_space<hbm>>
      %dma_start3A_55 = tpu.memref_slice %arg2[%mul3A_2] : memref<320000xi32, #tpu.memory_space<hbm>> -> memref<64xi32, #tpu.memory_space<hbm>>
      tpu.enqueue_dma source(%dma_start3A_55 : memref<64xi32, #tpu.memory_space<hbm>>) target(%arg6 : memref<64xi32, #tpu.memory_space<vmem>>) target_semaphore(%run_scoped3A : memref<!tpu.dma_semaphore, #tpu.memory_space<semaphore_mem>>)
      %dma_wait3A = tpu.memref_slice %arg2[%mul3A_2] : memref<320000xi32, #tpu.memory_space<hbm>> -> memref<64xi32, #tpu.memory_space<hbm>>
      %dma_wait3A_56 = tpu.memref_slice %arg2[%mul3A_2] : memref<320000xi32, #tpu.memory_space<hbm>> -> memref<64xi32, #tpu.memory_space<hbm>>
      tpu.wait_dma2 semaphore(%run_scoped3A : memref<!tpu.dma_semaphore, #tpu.memory_space<semaphore_mem>>) src(%dma_wait3A_56 : memref<64xi32, #tpu.memory_space<hbm>>) dst(%arg6 : memref<64xi32, #tpu.memory_space<vmem>>)
      tpu.yield
    }) : () -> ()
    %scan3A_41 = arith.constant 0 : i32
    %scan3A_42 = arith.constant 0 : i32
    %scan3A_43 = arith.constant 78 : i32
    %scan3A_44 = arith.addi %scan3A_42, %scan3A_43 : i32
    %scan3A_45 = arith.constant 1 : i32
    scf.for %scan3A_55 = %scan3A_42 to %scan3A_44 step %scan3A_45  : i32 {
      %mul3A_56 = arith.constant 2 : i32
      %mul3A_57 = arith.muli %mul3A_56, %scan3A_55 : i32
      %add3A_58 = arith.constant 1 : i32
      %add3A_59 = arith.addi %mul3A_57, %add3A_58 : i32
      %mul3A_60 = arith.constant 64 : i32
      %mul3A_61 = arith.muli %add3A_59, %mul3A_60 : i32
      %add3A_62 = arith.addi %mul3A_2, %mul3A_61 : i32
      %dma_start3A = tpu.memref_slice %arg2[%add3A_62] : memref<320000xi32, #tpu.memory_space<hbm>> -> memref<64xi32, #tpu.memory_space<hbm>>
      %dma_start3A_63 = tpu.memref_slice %arg2[%add3A_62] : memref<320000xi32, #tpu.memory_space<hbm>> -> memref<64xi32, #tpu.memory_space<hbm>>
      tpu.enqueue_dma source(%dma_start3A_63 : memref<64xi32, #tpu.memory_space<hbm>>) target(%arg7 : memref<64xi32, #tpu.memory_space<vmem>>) target_semaphore(%arg10 : memref<!tpu.dma_semaphore, #tpu.memory_space<semaphore_mem>>)
      "tpu.region"() ({
        %run_scoped3A = tpu.sem_alloc : memref<!tpu.dma_semaphore, #tpu.memory_space<semaphore_mem>>
        %dma_start3A_74 = arith.constant 0 : i32
        %dma_start3A_75 = arith.constant 0 : i32
        %dma_start3A_76 = tpu.memref_slice %arg4[%dma_start3A_74, %dma_start3A_75] : memref<10000x16xf32, #tpu.memory_space<vmem_shared>> -> memref<10000x16xf32, #tpu.memory_space<vmem_shared>>
        tpu.enqueue_indirect_dma source(%arg5 : memref<64x16xf32, #tpu.memory_space<vmem>>) target(%dma_start3A_76 : memref<10000x16xf32, #tpu.memory_space<vmem_shared>>) offsets(%arg6 : memref<64xi32, #tpu.memory_space<vmem>>) semaphore(%run_scoped3A : memref<!tpu.dma_semaphore, #tpu.memory_space<semaphore_mem>>) {add = true}
        %dma_wait3A_77 = arith.constant 0 : i32
        %dma_wait3A_78 = arith.constant 0 : i32
        %dma_wait3A_79 = tpu.memref_slice %arg4[%dma_wait3A_77, %dma_wait3A_78] : memref<10000x16xf32, #tpu.memory_space<vmem_shared>> -> memref<10000x16xf32, #tpu.memory_space<vmem_shared>>
        tpu.wait_indirect_dma semaphore(%run_scoped3A : memref<!tpu.dma_semaphore, #tpu.memory_space<semaphore_mem>>) src(%arg5 : memref<64x16xf32, #tpu.memory_space<vmem>>) dst(%dma_wait3A_79 : memref<10000x16xf32, #tpu.memory_space<vmem_shared>>)
        tpu.yield
      }) : () -> ()
      %dma_wait3A = tpu.memref_slice %arg2[%add3A_62] : memref<320000xi32, #tpu.memory_space<hbm>> -> memref<64xi32, #tpu.memory_space<hbm>>
      %dma_wait3A_64 = tpu.memref_slice %arg2[%add3A_62] : memref<320000xi32, #tpu.memory_space<hbm>> -> memref<64xi32, #tpu.memory_space<hbm>>
      tpu.wait_dma2 semaphore(%arg10 : memref<!tpu.dma_semaphore, #tpu.memory_space<semaphore_mem>>) src(%dma_wait3A_64 : memref<64xi32, #tpu.memory_space<hbm>>) dst(%arg7 : memref<64xi32, #tpu.memory_space<vmem>>)
      %lt3A = arith.constant 77 : i32
      %lt3A_65 = arith.cmpi slt, %scan3A_55, %lt3A : i32
      %convert_element_type3A_66 = arith.extui %lt3A_65 : i1 to i32
      %cond3A_67 = arith.constant 0 : i32
      %cond3A_68 = arith.cmpi ne, %convert_element_type3A_66, %cond3A_67 : i32
      scf.if %cond3A_68 {
        %mul3A_74 = arith.constant 2 : i32
        %mul3A_75 = arith.muli %mul3A_74, %scan3A_55 : i32
        %add3A_76 = arith.constant 2 : i32
        %add3A_77 = arith.addi %mul3A_75, %add3A_76 : i32
        %mul3A_78 = arith.constant 64 : i32
        %mul3A_79 = arith.muli %add3A_77, %mul3A_78 : i32
        %add3A_80 = arith.addi %mul3A_2, %mul3A_79 : i32
        %dma_start3A_81 = tpu.memref_slice %arg2[%add3A_80] : memref<320000xi32, #tpu.memory_space<hbm>> -> memref<64xi32, #tpu.memory_space<hbm>>
        %dma_start3A_82 = tpu.memref_slice %arg2[%add3A_80] : memref<320000xi32, #tpu.memory_space<hbm>> -> memref<64xi32, #tpu.memory_space<hbm>>
        tpu.enqueue_dma source(%dma_start3A_82 : memref<64xi32, #tpu.memory_space<hbm>>) target(%arg6 : memref<64xi32, #tpu.memory_space<vmem>>) target_semaphore(%arg9 : memref<!tpu.dma_semaphore, #tpu.memory_space<semaphore_mem>>)
      } else {
      }
      "tpu.region"() ({
        %run_scoped3A = tpu.sem_alloc : memref<!tpu.dma_semaphore, #tpu.memory_space<semaphore_mem>>
        %dma_start3A_74 = arith.constant 0 : i32
        %dma_start3A_75 = arith.constant 0 : i32
        %dma_start3A_76 = tpu.memref_slice %arg4[%dma_start3A_74, %dma_start3A_75] : memref<10000x16xf32, #tpu.memory_space<vmem_shared>> -> memref<10000x16xf32, #tpu.memory_space<vmem_shared>>
        tpu.enqueue_indirect_dma source(%arg5 : memref<64x16xf32, #tpu.memory_space<vmem>>) target(%dma_start3A_76 : memref<10000x16xf32, #tpu.memory_space<vmem_shared>>) offsets(%arg7 : memref<64xi32, #tpu.memory_space<vmem>>) semaphore(%run_scoped3A : memref<!tpu.dma_semaphore, #tpu.memory_space<semaphore_mem>>) {add = true}
        %dma_wait3A_77 = arith.constant 0 : i32
        %dma_wait3A_78 = arith.constant 0 : i32
        %dma_wait3A_79 = tpu.memref_slice %arg4[%dma_wait3A_77, %dma_wait3A_78] : memref<10000x16xf32, #tpu.memory_space<vmem_shared>> -> memref<10000x16xf32, #tpu.memory_space<vmem_shared>>
        tpu.wait_indirect_dma semaphore(%run_scoped3A : memref<!tpu.dma_semaphore, #tpu.memory_space<semaphore_mem>>) src(%arg5 : memref<64x16xf32, #tpu.memory_space<vmem>>) dst(%dma_wait3A_79 : memref<10000x16xf32, #tpu.memory_space<vmem_shared>>)
        tpu.yield
      }) : () -> ()
      %lt3A_69 = arith.constant 77 : i32
      %lt3A_70 = arith.cmpi slt, %scan3A_55, %lt3A_69 : i32
      %convert_element_type3A_71 = arith.extui %lt3A_70 : i1 to i32
      %cond3A_72 = arith.constant 0 : i32
      %cond3A_73 = arith.cmpi ne, %convert_element_type3A_71, %cond3A_72 : i32
      scf.if %cond3A_73 {
        %mul3A_74 = arith.constant 2 : i32
        %mul3A_75 = arith.muli %mul3A_74, %scan3A_55 : i32
        %add3A_76 = arith.constant 2 : i32
        %add3A_77 = arith.addi %mul3A_75, %add3A_76 : i32
        %mul3A_78 = arith.constant 64 : i32
        %mul3A_79 = arith.muli %add3A_77, %mul3A_78 : i32
        %add3A_80 = arith.addi %mul3A_2, %mul3A_79 : i32
        %dma_wait3A_81 = tpu.memref_slice %arg2[%add3A_80] : memref<320000xi32, #tpu.memory_space<hbm>> -> memref<64xi32, #tpu.memory_space<hbm>>
        %dma_wait3A_82 = tpu.memref_slice %arg2[%add3A_80] : memref<320000xi32, #tpu.memory_space<hbm>> -> memref<64xi32, #tpu.memory_space<hbm>>
        tpu.wait_dma2 semaphore(%arg9 : memref<!tpu.dma_semaphore, #tpu.memory_space<semaphore_mem>>) src(%dma_wait3A_82 : memref<64xi32, #tpu.memory_space<hbm>>) dst(%arg6 : memref<64xi32, #tpu.memory_space<vmem>>)
      } else {
      }
    }
    %scan3A_46 = arith.constant 78 : i32
    %add3A_47 = arith.constant 9984 : i32
    %add3A_48 = arith.addi %mul3A_2, %add3A_47 : i32
    "tpu.region"() ({
      %run_scoped3A = tpu.sem_alloc : memref<!tpu.dma_semaphore, #tpu.memory_space<semaphore_mem>>
      %dma_start3A = tpu.memref_slice %arg2[%add3A_48] : memref<320000xi32, #tpu.memory_space<hbm>> -> memref<16xi32, #tpu.memory_space<hbm>>
      %dma_start3A_55 = tpu.memref_slice %arg2[%add3A_48] : memref<320000xi32, #tpu.memory_space<hbm>> -> memref<16xi32, #tpu.memory_space<hbm>>
      tpu.enqueue_dma source(%dma_start3A_55 : memref<16xi32, #tpu.memory_space<hbm>>) target(%arg8 : memref<16xi32, #tpu.memory_space<vmem>>) target_semaphore(%run_scoped3A : memref<!tpu.dma_semaphore, #tpu.memory_space<semaphore_mem>>)
      %dma_wait3A = tpu.memref_slice %arg2[%add3A_48] : memref<320000xi32, #tpu.memory_space<hbm>> -> memref<16xi32, #tpu.memory_space<hbm>>
      %dma_wait3A_56 = tpu.memref_slice %arg2[%add3A_48] : memref<320000xi32, #tpu.memory_space<hbm>> -> memref<16xi32, #tpu.memory_space<hbm>>
      tpu.wait_dma2 semaphore(%run_scoped3A : memref<!tpu.dma_semaphore, #tpu.memory_space<semaphore_mem>>) src(%dma_wait3A_56 : memref<16xi32, #tpu.memory_space<hbm>>) dst(%arg8 : memref<16xi32, #tpu.memory_space<vmem>>)
      tpu.yield
    }) : () -> ()
    "tpu.region"() ({
      %run_scoped3A = tpu.sem_alloc : memref<!tpu.dma_semaphore, #tpu.memory_space<semaphore_mem>>
      %dma_start3A = arith.constant 0 : i32
      %dma_start3A_55 = arith.constant 0 : i32
      %dma_start3A_56 = tpu.memref_slice %arg5[%dma_start3A, %dma_start3A_55] : memref<64x16xf32, #tpu.memory_space<vmem>> -> memref<16x16xf32, #tpu.memory_space<vmem>>
      %dma_start3A_57 = arith.constant 0 : i32
      %dma_start3A_58 = arith.constant 0 : i32
      %dma_start3A_59 = tpu.memref_slice %arg4[%dma_start3A_57, %dma_start3A_58] : memref<10000x16xf32, #tpu.memory_space<vmem_shared>> -> memref<10000x16xf32, #tpu.memory_space<vmem_shared>>
      tpu.enqueue_indirect_dma source(%dma_start3A_56 : memref<16x16xf32, #tpu.memory_space<vmem>>) target(%dma_start3A_59 : memref<10000x16xf32, #tpu.memory_space<vmem_shared>>) offsets(%arg8 : memref<16xi32, #tpu.memory_space<vmem>>) semaphore(%run_scoped3A : memref<!tpu.dma_semaphore, #tpu.memory_space<semaphore_mem>>) {add = true}
      %dma_wait3A = arith.constant 0 : i32
      %dma_wait3A_60 = arith.constant 0 : i32
      %dma_wait3A_61 = tpu.memref_slice %arg5[%dma_wait3A, %dma_wait3A_60] : memref<64x16xf32, #tpu.memory_space<vmem>> -> memref<16x16xf32, #tpu.memory_space<vmem>>
      %dma_wait3A_62 = arith.constant 0 : i32
      %dma_wait3A_63 = arith.constant 0 : i32
      %dma_wait3A_64 = tpu.memref_slice %arg4[%dma_wait3A_62, %dma_wait3A_63] : memref<10000x16xf32, #tpu.memory_space<vmem_shared>> -> memref<10000x16xf32, #tpu.memory_space<vmem_shared>>
      tpu.wait_indirect_dma semaphore(%run_scoped3A : memref<!tpu.dma_semaphore, #tpu.memory_space<semaphore_mem>>) src(%dma_wait3A_61 : memref<16x16xf32, #tpu.memory_space<vmem>>) dst(%dma_wait3A_64 : memref<10000x16xf32, #tpu.memory_space<vmem_shared>>)
      tpu.yield
    }) : () -> ()
    %barrier3A_49 = arith.constant 0 : index
    tpu.barrier barrier_id(%barrier3A_49)
    "tpu.region"() ({
      %run_scoped3A = tpu.sem_alloc : memref<!tpu.dma_semaphore, #tpu.memory_space<semaphore_mem>>
      %dma_start3A = arith.constant 0 : i32
      %dma_start3A_55 = tpu.memref_slice %arg3[%arg0, %mul3A_4, %dma_start3A] : memref<2x10000x16xf32, #tpu.memory_space<hbm>> -> memref<1x624x16xf32, #tpu.memory_space<hbm>>
      %dma_start3A_56 = tpu.memref_squeeze %dma_start3A_55 : memref<1x624x16xf32, #tpu.memory_space<hbm>> -> memref<624x16xf32, #tpu.memory_space<hbm>>
      %dma_start3A_57 = arith.constant 0 : i32
      %dma_start3A_58 = tpu.memref_slice %arg4[%mul3A_4, %dma_start3A_57] : memref<10000x16xf32, #tpu.memory_space<vmem_shared>> -> memref<624x16xf32, #tpu.memory_space<vmem_shared>>
      tpu.enqueue_dma source(%dma_start3A_58 : memref<624x16xf32, #tpu.memory_space<vmem_shared>>) target(%dma_start3A_56 : memref<624x16xf32, #tpu.memory_space<hbm>>) target_semaphore(%run_scoped3A : memref<!tpu.dma_semaphore, #tpu.memory_space<semaphore_mem>>)
      %dma_wait3A = arith.constant 0 : i32
      %dma_wait3A_59 = tpu.memref_slice %arg3[%arg0, %mul3A_4, %dma_wait3A] : memref<2x10000x16xf32, #tpu.memory_space<hbm>> -> memref<1x624x16xf32, #tpu.memory_space<hbm>>
      %dma_wait3A_60 = tpu.memref_squeeze %dma_wait3A_59 : memref<1x624x16xf32, #tpu.memory_space<hbm>> -> memref<624x16xf32, #tpu.memory_space<hbm>>
      %dma_wait3A_61 = arith.constant 0 : i32
      %dma_wait3A_62 = tpu.memref_slice %arg4[%mul3A_4, %dma_wait3A_61] : memref<10000x16xf32, #tpu.memory_space<vmem_shared>> -> memref<624x16xf32, #tpu.memory_space<vmem_shared>>
      tpu.wait_dma2 semaphore(%run_scoped3A : memref<!tpu.dma_semaphore, #tpu.memory_space<semaphore_mem>>) src(%dma_wait3A_62 : memref<624x16xf32, #tpu.memory_space<vmem_shared>>) dst(%dma_wait3A_60 : memref<624x16xf32, #tpu.memory_space<hbm>>)
      tpu.yield
    }) : () -> ()
    %eq3A_50 = arith.constant 15 : i32
    %eq3A_51 = arith.cmpi eq, %arg1, %eq3A_50 : i32
    %convert_element_type3A_52 = arith.extui %eq3A_51 : i1 to i32
    %cond3A_53 = arith.constant 0 : i32
    %cond3A_54 = arith.cmpi ne, %convert_element_type3A_52, %cond3A_53 : i32
    scf.if %cond3A_54 {
      "tpu.region"() ({
        %run_scoped3A = tpu.sem_alloc : memref<!tpu.dma_semaphore, #tpu.memory_space<semaphore_mem>>
        %dma_start3A = arith.constant 9984 : i32
        %dma_start3A_55 = arith.constant 0 : i32
        %dma_start3A_56 = tpu.memref_slice %arg3[%arg0, %dma_start3A, %dma_start3A_55] : memref<2x10000x16xf32, #tpu.memory_space<hbm>> -> memref<1x16x16xf32, #tpu.memory_space<hbm>>
        %dma_start3A_57 = tpu.memref_squeeze %dma_start3A_56 : memref<1x16x16xf32, #tpu.memory_space<hbm>> -> memref<16x16xf32, #tpu.memory_space<hbm>>
        %dma_start3A_58 = arith.constant 9984 : i32
        %dma_start3A_59 = arith.constant 0 : i32
        %dma_start3A_60 = tpu.memref_slice %arg4[%dma_start3A_58, %dma_start3A_59] : memref<10000x16xf32, #tpu.memory_space<vmem_shared>> -> memref<16x16xf32, #tpu.memory_space<vmem_shared>>
        tpu.enqueue_dma source(%dma_start3A_60 : memref<16x16xf32, #tpu.memory_space<vmem_shared>>) target(%dma_start3A_57 : memref<16x16xf32, #tpu.memory_space<hbm>>) target_semaphore(%run_scoped3A : memref<!tpu.dma_semaphore, #tpu.memory_space<semaphore_mem>>)
        %dma_wait3A = arith.constant 9984 : i32
        %dma_wait3A_61 = arith.constant 0 : i32
        %dma_wait3A_62 = tpu.memref_slice %arg3[%arg0, %dma_wait3A, %dma_wait3A_61] : memref<2x10000x16xf32, #tpu.memory_space<hbm>> -> memref<1x16x16xf32, #tpu.memory_space<hbm>>
        %dma_wait3A_63 = tpu.memref_squeeze %dma_wait3A_62 : memref<1x16x16xf32, #tpu.memory_space<hbm>> -> memref<16x16xf32, #tpu.memory_space<hbm>>
        %dma_wait3A_64 = arith.constant 9984 : i32
        %dma_wait3A_65 = arith.constant 0 : i32
        %dma_wait3A_66 = tpu.memref_slice %arg4[%dma_wait3A_64, %dma_wait3A_65] : memref<10000x16xf32, #tpu.memory_space<vmem_shared>> -> memref<16x16xf32, #tpu.memory_space<vmem_shared>>
        tpu.wait_dma2 semaphore(%run_scoped3A : memref<!tpu.dma_semaphore, #tpu.memory_space<semaphore_mem>>) src(%dma_wait3A_66 : memref<16x16xf32, #tpu.memory_space<vmem_shared>>) dst(%dma_wait3A_63 : memref<16x16xf32, #tpu.memory_space<hbm>>)
        tpu.yield
      }) : () -> ()
    } else {
    }
    return
  }
}

</mosaic_0001>

<sc_bundles>
// kernel: _deg_call.3.cloned.1.call-start
scs
__scs_entry_jumppad:
0x0: {  	(pc) =	sbr.rel $0x88, $3  }
0x1: {  	(tag) =	ssettag $0x0;
	lr =	simm.s32 $0x1  }
0x2: {  	[smem:$0x3FA0] =	sst lr;
	_ =	strace $0xD0000000  }
0x3: {  	_ = 	snop  }
0x4: {  	_ = 	snop  }
0x5: {  	_ = 	snop  }
0x6: {  	_ = 	snop  }
0x7: {  	_ = 	snop  }
__scs_overlays_trampoline_lowered:
0x8: {  	[smem:$0x3FAF] =	sst s0  }
0x9: {  	[smem:$0x3FB0] =	sst s1  }
0xa: {  	[smem:$0x3FB1] =	sst s2  }
0xb: {  	[smem:$0x3FB2] =	sst s3  }
0xc: {  	[smem:$0x3FB3] =	sst s4  }
0xd: {  	[smem:$0x3FB4] =	sst s5  }
0xe: {  	[smem:$0x3FB5] =	sst s6  }
0xf: {  	[smem:$0x3FB6] =	sst s7  }
0x10: {  	[smem:$0x3FB7] =	sst s8  }
0x11: {  	[smem:$0x3FB8] =	sst s9;
	s0 =	simm.s32 @!p0 $0x0  }
0x12: {  	s1 =	sld [smem:$0x3F9E];
	s0 =	simm.s32 @p0 $0x1  }
0x13: {  	[smem:$0x3FB9] =	sst s0;
	s0 =	simm.s32 @!p1 $0x0  }
0x14: {  	s2 =	sld [smem:$0x3F9D];
	s0 =	simm.s32 @p1 $0x1  }
0x15: {  	[smem:$0x3FBA] =	sst s0;
	s0 =	simm.s32 @!p2 $0x0  }
0x16: {  	s3 =	sld [smem:$0x3FDB];
	s0 =	simm.s32 @p2 $0x1  }
0x17: {  	s4 =	simm.s32 $0x1BF5;
	[smem:$0x3FBC] =	sst s0  }
0x18: {  	s0 =	sld [smem:$0x3F9F];
	_ =	swait.ge [sflag:s4], $0x0  }
0x19: {  	s7 =	sld [smem:$0x3FA0]  }
0x1a: {  	s8 =	sadd.s32 $0xFFFFE003, lr  }
0x1b: {  	s9 =	sadd.s32 $0xFFFFFEF7, lr;
	s5 =	simm.s32 $0xFFFFFFFF;
	p2 =	slt.u32 s8, $0xFFFFF086  }
0x1c: {  	p1 =	slt.u32 s9, $0xF7A;
	s5 =	simm.s32 @!p2 $0x0  }
0x1d: {  	s5 =	simm.s32 @p1 $0x1;
	p0 =	seq.s32 s7, s2  }
0x1e: {  	s7 =	smul.u32 @!p0 $0xF7A, s2;
	p2 =	seq.s32 @!p0 s5, $0x0  }
0x1f: {  	s9 =	smul.u32 $0xF7A, s1;
	s8 =	simm.s32 @!p0 $0x1BF5;
	p2 =	por !p2, p0  }
0x20: {  	[sflag:s8] =	ssyncset.s32 @!p0 $0xFFFFF086;
	s6 =	sadd.s32 @!p0 s3, s7;
	s7 =	simm.s32 @!p0 $0x108  }
0x21: {  	s3 =	sadd.s32 s3, s9;
	s6 =	sadd.s32 @!p0 $0x88, s6;
	s7 =	simm.s32 @p2 $0x1082  }
0x22: {  	[simem:s7], [sflag:s8] =	dma.local @!p0 [hbm:s6], $0xF7A  }
0x23: {  	s9 =	sor.u32 $0xD0000000, s2;
	s6 =	simm.s32 $0x108;
	_ =	swait.ge @!p0 [sflag:s8], $0x0  }
0x24: {  	s3 =	sadd.s32 $0x88, s3;
	s6 =	simm.s32 @!p1 $0x1082;
	[sflag:s4] =	ssyncset.s32 $0xFFFFF086  }
0x25: {  	[simem:s6], [sflag:s4] =	dma.local [hbm:s3], $0xF7A  }
0x26: {  	[smem:$0x3FA0] =	sst s1;
	(tag) =	ssettag s2;
	_ =	strace s9  }
0x27: {  	s1 =	sld [smem:$0x3FB0]  }
0x28: {  	s2 =	sld [smem:$0x3FB1]  }
0x29: {  	s4 =	sld [smem:$0x3FB3]  }
0x2a: {  	p0 =	seq.s32 s5, $0x0;
	s5 =	sld [smem:$0x3FB4]  }
0x2b: {  	s6 =	sld [smem:$0x3FB5]  }
0x2c: {  	s7 =	sld [smem:$0x3FB6]  }
0x2d: {  	s3 =	simm.s32 $0x108;
	s8 =	sld [smem:$0x3FB7]  }
0x2e: {  	s3 =	simm.s32 @!p0 $0x1082;
	s9 =	sld [smem:$0x3FB8]  }
0x2f: {  	lr =	sadd.s32 s0, s3;
	s0 =	sld [smem:$0x3FAF]  }
0x30: {  	s3 =	sld [smem:$0x3FB2]  }
0x31: {  	[smem:$0x3FBB] =	sst s10  }
0x32: {  	s10 =	sld [smem:$0x3FB9];
	_ =	sdelay $0x3  }
0x33: {  	p0 =	seq.s32 s10, $0x1;
	s10 =	sld [smem:$0x3FBB];
	_ =	sdelay $0x3  }
0x34: {  	[smem:$0x3FBB] =	sst s10  }
0x35: {  	s10 =	sld [smem:$0x3FBA];
	_ =	sdelay $0x3  }
0x36: {  	p1 =	seq.s32 s10, $0x1;
	s10 =	sld [smem:$0x3FBB];
	_ =	sdelay $0x3  }
0x37: {  	[smem:$0x3FBB] =	sst s10  }
0x38: {  	s10 =	sld [smem:$0x3FBC]  }
0x39: {  	_ = 	snop;
	(pc) =	sbr.ind lr, $3  }
0x3a: {  	_ = 	snop  }
0x3b: {  	_ = 	snop  }
0x3c: {  	p2 =	seq.s32 s10, $0x1;
	s10 =	sld [smem:$0x3FBB]  }
0x3d: {  	_ =	shalt  }
0x3e: {  	_ =	shalt  }
0x3f: {  	_ =	shalt  }
0x40: {  	_ =	shalt  }
0x41: {  	_ =	shalt  }
0x42: {  	_ =	shalt  }
0x43: {  	_ =	shalt  }
0x44: {  	_ =	shalt  }
0x45: {  	_ =	shalt  }
0x46: {  	_ =	shalt  }
0x47: {  	_ =	shalt  }
0x48: {  	_ =	shalt  }
0x49: {  	_ =	shalt  }
0x4a: {  	_ =	shalt  }
0x4b: {  	_ =	shalt  }
0x4c: {  	_ =	shalt  }
0x4d: {  	_ =	shalt  }
0x4e: {  	_ =	shalt  }
0x4f: {  	_ =	shalt  }
0x50: {  	_ =	shalt  }
0x51: {  	_ =	shalt  }
0x52: {  	_ =	shalt  }
0x53: {  	_ =	shalt  }
0x54: {  	_ =	shalt  }
0x55: {  	_ =	shalt  }
0x56: {  	_ =	shalt  }
0x57: {  	_ =	shalt  }
0x58: {  	_ =	shalt  }
0x59: {  	_ =	shalt  }
0x5a: {  	_ =	shalt  }
0x5b: {  	_ =	shalt  }
0x5c: {  	_ =	shalt  }
0x5d: {  	_ =	shalt  }
0x5e: {  	_ =	shalt  }
0x5f: {  	_ =	shalt  }
0x60: {  	_ =	shalt  }
0x61: {  	_ =	shalt  }
0x62: {  	_ =	shalt  }
0x63: {  	_ =	shalt  }
0x64: {  	_ =	shalt  }
0x65: {  	_ =	shalt  }
0x66: {  	_ =	shalt  }
0x67: {  	_ =	shalt  }
0x68: {  	_ =	shalt  }
0x69: {  	_ =	shalt  }
0x6a: {  	_ =	shalt  }
0x6b: {  	_ =	shalt  }
0x6c: {  	_ =	shalt  }
0x6d: {  	_ =	shalt  }
0x6e: {  	_ =	shalt  }
0x6f: {  	_ =	shalt  }
0x70: {  	_ =	shalt  }
0x71: {  	_ =	shalt  }
0x72: {  	_ =	shalt  }
0x73: {  	_ =	shalt  }
0x74: {  	_ =	shalt  }
0x75: {  	_ =	shalt  }
0x76: {  	_ =	shalt  }
0x77: {  	_ =	shalt  }
0x78: {  	_ =	shalt  }
0x79: {  	_ =	shalt  }
0x7a: {  	_ =	shalt  }
0x7b: {  	_ =	shalt  }
0x7c: {  	_ =	shalt  }
0x7d: {  	_ =	shalt  }
0x7e: {  	_ =	shalt  }
0x7f: {  	_ =	shalt  }
0x80: {  	_ =	shalt  }
0x81: {  	_ =	shalt  }
0x82: {  	_ =	shalt  }
0x83: {  	_ =	shalt  }
0x84: {  	_ =	shalt  }
0x85: {  	_ =	shalt  }
0x86: {  	_ =	shalt  }
0x87: {  	_ =	shalt  }
.Lfunc_end0:
.L_simem_size_0:
called_computation_lowered:
.L_overlay_start_0:
0x88: {  	s2 =	sld [smem:$0x3FD9]  }
0x89: {  	s3 =	sld [smem:$0x3FFE];
	_ =	sdelay $0x1  }
0x8a: {  	s1 =	srdreg.scid  }
0x8b: {  	s0 =	sand.u32 $0x1, s1  }
0x8c: {  	s17 =	sshll.u32 s0, $0xA;
	s2 =	sadd.s32 s3, s2  }
0x8d: {  	s2 =	sadd.s32 s2, s17  }
0x8e: {  	[smem:$0x3FC7] =	sst s2  }
0x8f: {  	_ = 	snop  }
0x90: {  	s2 =	sld [smem:$0x3FC9];
	(tm) =	ssettm $0x1  }
0x91: {  	s18 =	sld [smem:$0x3FFB];
	_ =	sdelay $0x3  }
0x92: {  	_ =	strace s18  }
0x93: {  	s3 =	sld [smem:$0x3FFC];
	_ =	sdelay $0x3  }
0x94: {  	_ =	strace s3  }
0x95: {  	s3 =	sld [smem:$0x3FFD];
	_ =	sdelay $0x3  }
0x96: {  	_ =	strace s3  }
0x97: {  	_ =	strace $0x8FFFFFFF  }
0x98: {  	s19 =	sld [smem:$0x3FDB];
	_ =	sdelay $0x1  }
0x99: {  	s4 =	simm.s32 $_scs_section_size  }
0x9a: {  	s5 =	simm.s32 $_size__tile_overlayer_lowered;
	s6 =	simm.s32 $_tile_overlayer_lowered  }
0x9b: {  	s22 =	simm.s32 $0x1BFF;
	s21 =	sshll.u32 s6, $0x1;
	s3 =	sadd.s32 s4, s19  }
0x9c: {  	s7 =	simm.s32 $0x0;
	s20 =	sshll.u32 s5, $0x1;
	s5 =	sadd.s32 s21, s3  }
0x9d: {  	[timem:s7], [sflag:s22] =	dma.local [hbm:s5], s20  }
0x9e: {  	_ =	swait.ge [sflag:s22], s20  }
0x9f: {  	s4 =	ssub.s32 $0x0, s20;
	[sflag:s22] =	ssyncset.done $0x0  }
0xa0: {  	[sflag:s22] =	ssyncadd.s32 s4;
	_ =	sdelay $0x1  }
0xa1: {  	s23 =	simm.s32 $0x1B8B  }
0xa2: {  	_ =	swait.ge [sflag:s23], $0x1  }
0xa3: {  	[sflag:s23] =	ssyncset.done $0x0  }
0xa4: {  	s25 =	simm.s32 $0x1B8E;
	s24 =	sld [smem:$0x3FFE];
	[sflag:s23] =	ssyncadd.s32 $0xFFFFFFFF  }
0xa5: {  	s26 =	simm.s32 $execute0_lowered;
	[smem:$0x3FD2] =	sst s25  }
0xa6: {  	s5 =	sshll.u32 s26, $0x1;
	_ =	strace $0x80000046;
	[dreg:$0x1] =	wrdreg $0xFFFFFFFF  }
0xa7: {  	s28 =	simm.s32 $_size_execute0_lowered;
	s3 =	sadd.s32 s3, s5;
	[dreg:$0x0] =	wrdreg $0x0  }
0xa8: {  	s5 =	sshll.u32 s28, $0x1;
	[dreg:$0x2] =	wrdreg s3  }
0xa9: {  	[dreg:$0x3] =	wrdreg s5  }
0xaa: {  	[dreg:$0x4] =	wrdreg $0xC0  }
0xab: {  	_ =	task [dreg:s7], $0x5FFFF  }
0xac: {  	[dreg:$0x1] =	wrdreg $0xFFFFFFFF  }
0xad: {  	[dreg:$0x0] =	wrdreg $0x60  }
0xae: {  	[dreg:$0x2] =	wrdreg s2  }
0xaf: {  	[dreg:$0x3] =	wrdreg s24  }
0xb0: {  	[dreg:$0x4] =	wrdreg $0x0  }
0xb1: {  	[dreg:$0x5] =	wrdreg $0x9  }
0xb2: {  	_ =	task.clear_ibuf [dreg:s7], $0x6FFFF;
	_ =	strace $0x90000046  }
0xb3: {  	s29 =	simm.s32 $0x9;
	_ =	strace $0x80000048  }
0xb4: {  	_ =	swait.ge [sflag:s29], $0x1  }
0xb5: {  	[sflag:s29] =	ssyncadd.s32 $0xFFFFFFFF  }
0xb6: {  	_ =	strace $0x90000048  }
0xb7: {  	_ =	sfence  }
0xb8: {  	s30 =	sld [smem:$0x0];
	_ =	sdelay $0x2  }
0xb9: {  	s31 =	sshll.u32 s1, $0xD;
	s1 =	sshrl.u32 s1, $0x2  }
0xba: {  	s3 =	sand.u32 $0x4000, s31;
	s1 =	sadd.s32 s1, s30  }
0xbb: {  	s0 =	sor.u32 s3, s0;
	s1 =	sshll.u32 s1, $0x11  }
0xbc: {  	s0 =	sor.u32 s1, s0  }
0xbd: {  	s0 =	sadd.s32 $0x8F2B, s0  }
0xbe: {  	[sflag:s0] =	ssyncadd.remote.s32 $0x1  }
0xbf: {  	_ =	sfence.sel $0xFFFF  }
0xc0: {  	[dreg:$0x0] =	wrdreg $0xFFFFFFFF;
	(pc) =	sbr.abs _section_cstart, $3  }
0xc1: {  	[dreg:$0x1] =	wrdreg $0xFFFFFFFF  }
0xc2: {  	_ =	task.clear_ibuf [dreg:s7], $0x2FFFF;
	_ =	strace $0x9FFFFFFF  }
0xc3: {  	(tm) =	ssettm $0x7FFFFFFF  }
tec
execute0_lowered:
.L_overlay_start_1:
0x0: {  	(tag) =	ssettag $0x1  }
0x1: {  	s1 =	rddreg [dreg:$0x0]  }
0x2: {  	s0 =	rddreg [dreg:$0x1]  }
0x3: {  	s3 =	rddreg [dreg:$0x2];
	s4 =	simm.s32 $0x0  }
0x4: {  	s2 =	srdreg.scid;
	s9 =	stileid.u32;
	s28 =	simm.s32 $0x4790  }
0x5: {  	s29 =	simm.s32 $0x40;
	s30 =	simm.s32 $0x2;
	s31 =	simm.s32 $0x1  }
0x6: {  	[smem:$0x7FF] =	sst s4;
	s2 =	sand.u32 $0x1, s2;
	s5 =	smul.u32 $0x4E000, s9  }
0x7: {  	s0 =	sadd.s32 $0x400, s0;
	s8 =	sshll.u32 s9, $0x1;
	s17 =	smul.u32 $0x13800, s9  }
0x8: {  	s15 =	sadd.s32 $0x138000, s3;
	p0 =	sne.s32 s9, $0xF;
	_ =	strace $0x80000047  }
0x9: {  	s6 =	ssub.s32 $0x2, s2;
	s18 =	sor.u32 s2, s8;
	s24 =	smul.u32 $0x138800, s2  }
0xa: {  	s2 =	smul.u32 $0x2710, s2;
	s7 =	sshrl.u32 s6, $0x1;
	s5 =	sshrl.u32 s5, $0x2  }
0xb: {  	s6 =	ssub.s32 s6, s7;
	s5 =	sadd.s32 s5, s3;
	s7 =	smul.u32 $0x2710, s18  }
0xc: {  	s25 =	sadd.s32 s17, s24;
	s8 =	sshrl.u32 s24, $0x3;
	s19 =	sadd.s32 $0x2000, s5  }
0xd: {  	s24 =	simm.s32 $0x2710;
	s20 =	sadd.s32 $0x4000, s5;
	[dreg:$0x4] =	wrdreg s19  }
0xe: {  	s21 =	sadd.s32 $0x6000, s5;
	s22 =	sadd.s32 $0x8000, s5;
	[dreg:$0x5] =	wrdreg s20  }
0xf: {  	s23 =	sadd.s32 $0xA000, s5;
	s11 =	sadd.s32 $0xC000, s5;
	[dreg:$0x6] =	wrdreg s21  }
0x10: {  	s12 =	sadd.s32 $0xE000, s5;
	s13 =	sadd.s32 $0x10000, s5;
	[dreg:$0x7] =	wrdreg s22  }
0x11: {  	s14 =	sadd.s32 $0x12000, s5;
	[dreg:$0x8] =	wrdreg s23;
	s7 =	sshrl.u32 s7, $0x3  }
0x12: {  	s19 =	smul.u32 $0x4E20, s9;
	s20 =	smax.u32 s6, $0x1;
	s16 =	sadd.s32 s1, s7  }
0x13: {  	s7 =	sshrl.u32 s25, $0x3;
	s25 =	simm.s32 $0x3;
	s17 =	sadd.s32 $0x4E0, s16  }
0x14: {  	s18 =	sadd.s32 s0, s7;
	s0 =	sadd.s32 s0, s8;
	s2 =	sadd.s32 s2, s19  }
0x15: {  	s21 =	sadd.s32 $0x4D8, s16;
	s19 =	sadd.s32 $0x27000, s0;
	s26 =	sadd.s32 $0x40, s2  }
0x16: {  	s22 =	sadd.s32 $0x80, s2;
	s2 =	simm.s32 $0x0;
	s0 =	sshrl.u32 s26, $0x3  }
0x17: {  	v0 =	vimm.f32 $0.0e+00;
	v1 =	vimm.f32 $1.000000000e+00;
	s26 =	simm.s32 $0x4710;
	s23 =	sadd.s32 s0, s1;
	s0 =	simm.s32 $0x4810  }
.LBB2_1:
0x18: {  	s6 =	simm.s32 $0x200;
	s7 =	simm.s32 $0x0  }
.LBB2_2:
0x19: {  	p1 =	sne.s32 s6, $0x7E00;
	[tilespmem:s7+$0x2710] =	vst v0;
	s7 =	smov.u32 s6;
	s6 =	sadd.s32 $0x200, s6  }
.Ltmp0:
0x1a: {  	(pc) =	sbr.rel @p1 .LBB2_2-.Ltmp0, $2  }
0x1b: {  	_ =	sdelay $0x2  }
0x1c: {  	s7 =	sshra.s32 s7, $0x2  }
0x1d: {  	[tilespmem:s7+$0x2710] =	vst v0  }
0x1e: {  	[spmem:s5] =	stream.linear.scatter [tilespmem:s24], [sflag:$0x3], $0x2000, $0x38;
	[tilespmem:$0x4890] =	vst v63  }
0x1f: {  	_ =	swait.ge [sflag:s25], $0x2000  }
0x20: {  	[sflag:s25] =	ssyncset.done $0x0  }
0x21: {  	s6 =	rddreg [dreg:$0x4];
	[sflag:s25] =	ssyncadd.s32 $0xFFFFE000  }
0x22: {  	[spmem:s6] =	stream.linear.scatter [tilespmem:s24], [sflag:$0x3], $0x2000, $0x38;
	[tilespmem:$0x4890] =	vst v63  }
0x23: {  	_ =	swait.ge [sflag:s25], $0x2000  }
0x24: {  	[sflag:s25] =	ssyncset.done $0x0  }
0x25: {  	s7 =	rddreg [dreg:$0x5];
	[sflag:s25] =	ssyncadd.s32 $0xFFFFE000  }
0x26: {  	[spmem:s7] =	stream.linear.scatter [tilespmem:s24], [sflag:$0x3], $0x2000, $0x38;
	[tilespmem:$0x4890] =	vst v63  }
0x27: {  	_ =	swait.ge [sflag:s25], $0x2000  }
0x28: {  	[sflag:s25] =	ssyncset.done $0x0  }
0x29: {  	s8 =	rddreg [dreg:$0x6];
	[sflag:s25] =	ssyncadd.s32 $0xFFFFE000  }
0x2a: {  	[spmem:s8] =	stream.linear.scatter [tilespmem:s24], [sflag:$0x3], $0x2000, $0x38;
	[tilespmem:$0x4890] =	vst v63  }
0x2b: {  	_ =	swait.ge [sflag:s25], $0x2000  }
0x2c: {  	[sflag:s25] =	ssyncset.done $0x0  }
0x2d: {  	s9 =	rddreg [dreg:$0x7];
	[sflag:s25] =	ssyncadd.s32 $0xFFFFE000  }
0x2e: {  	[spmem:s9] =	stream.linear.scatter [tilespmem:s24], [sflag:$0x3], $0x2000, $0x38;
	[tilespmem:$0x4890] =	vst v63  }
0x2f: {  	_ =	swait.ge [sflag:s25], $0x2000  }
0x30: {  	[sflag:s25] =	ssyncset.done $0x0  }
0x31: {  	s10 =	rddreg [dreg:$0x8];
	[sflag:s25] =	ssyncadd.s32 $0xFFFFE000  }
0x32: {  	[spmem:s10] =	stream.linear.scatter [tilespmem:s24], [sflag:$0x3], $0x2000, $0x38;
	[tilespmem:$0x4890] =	vst v63  }
0x33: {  	_ =	swait.ge [sflag:s25], $0x2000  }
0x34: {  	[sflag:s25] =	ssyncset.done $0x0  }
0x35: {  	[sflag:s25] =	ssyncadd.s32 $0xFFFFE000  }
0x36: {  	[spmem:s11] =	stream.linear.scatter [tilespmem:s24], [sflag:$0x3], $0x2000, $0x38;
	[tilespmem:$0x4890] =	vst v63  }
0x37: {  	_ =	swait.ge [sflag:s25], $0x2000  }
0x38: {  	[sflag:s25] =	ssyncset.done $0x0  }
0x39: {  	[sflag:s25] =	ssyncadd.s32 $0xFFFFE000  }
0x3a: {  	[spmem:s12] =	stream.linear.scatter [tilespmem:s24], [sflag:$0x3], $0x2000, $0x38;
	[tilespmem:$0x4890] =	vst v63  }
0x3b: {  	_ =	swait.ge [sflag:s25], $0x2000  }
0x3c: {  	[sflag:s25] =	ssyncset.done $0x0  }
0x3d: {  	[sflag:s25] =	ssyncadd.s32 $0xFFFFE000  }
0x3e: {  	[spmem:s13] =	stream.linear.scatter [tilespmem:s24], [sflag:$0x3], $0x2000, $0x38;
	[tilespmem:$0x4890] =	vst v63  }
0x3f: {  	_ =	swait.ge [sflag:s25], $0x2000  }
0x40: {  	[sflag:s25] =	ssyncset.done $0x0  }
0x41: {  	[sflag:s25] =	ssyncadd.s32 $0xFFFFE000  }
0x42: {  	[spmem:s14] =	stream.linear.scatter [tilespmem:s24], [sflag:$0x3], $0x1800, $0x38;
	[tilespmem:$0x4890] =	vst v63  }
0x43: {  	_ =	swait.ge [sflag:s25], $0x1800  }
0x44: {  	[sflag:s25] =	ssyncset.done $0x0  }
0x45: {  	s6 =	simm.s32 @!p0 $0x2710;
	[sflag:s25] =	ssyncadd.s32 $0xFFFFE800  }
0x46: {  	[spmem:s15] =	stream.linear.scatter @!p0 [tilespmem:s6], [sflag:$0x3], $0x800, $0x38;
	[tilespmem:$0x4890] =	vst v63  }
0x47: {  	s6 =	simm.s32 @!p0 $0x3  }
0x48: {  	_ =	swait.ge @!p0 [sflag:s6], $0x800  }
0x49: {  	[sflag:s6] =	ssyncset.done @!p0 $0x0  }
0x4a: {  	[sflag:s6] =	ssyncadd.s32 @!p0 $0xFFFFF800  }
0x4b: {  	s7 =	simm.s32 $0x0;
	s6 =	simm.s32 $0x200;
	[bflag:$0x0] =	sbarrier.arrive $0xFFFF  }
.LBB2_4:
0x4c: {  	p1 =	sne.s32 s6, $0x7E00;
	[tilespmem:s7+$0x2710] =	vst v1;
	s7 =	smov.u32 s6;
	s6 =	sadd.s32 $0x200, s6  }
.Ltmp1:
0x4d: {  	(pc) =	sbr.rel @p1 .LBB2_4-.Ltmp1, $2  }
0x4e: {  	_ =	sdelay $0x2  }
0x4f: {  	s7 =	sshra.s32 s7, $0x2  }
0x50: {  	[tilespmem:s7+$0x2710] =	vst v1;
	s6 =	simm.s32 $0x0  }
0x51: {  	[tilespmem:s26], [sflag:$0x3] =	stream.linear.gather [hbm4b:s16+s6], $0x40, $0x38;
	[tilespmem:$0x4890] =	vst v63  }
0x52: {  	_ =	swait.ge [sflag:s25], $0x40  }
0x53: {  	[sflag:s25] =	ssyncset.done $0x0  }
0x54: {  	s9 =	sadd.s32 $0x0, s23;
	[sflag:s25] =	ssyncadd.s32 $0xFFFFFFC0  }
0x55: {  	[tilespmem:s28], [sflag:$0x2] =	stream.linear.gather [hbm4b:s9+s4], $0x40, $0x38;
	[tilespmem:$0x4890] =	vst v63  }
0x56: {  	_ = 	snop  }
0x57: {  	[spmem:s3] =	stream.indirect.scatter.add.f32 [tilespmem:s24], [sflag:$0x3], $0x10, s26, s29, $0xb8;
	[tilespmem:$0x4890] =	vst v63  }
0x58: {  	_ =	swait.ge [sflag:s25], $0x400  }
0x59: {  	[sflag:s25] =	ssyncset.done $0x0  }
0x5a: {  	[sflag:s25] =	ssyncadd.s32 $0xFFFFFC00  }
0x5b: {  	_ =	swait.ge [sflag:s30], $0x40  }
0x5c: {  	s10 =	sshrl.u32 s22, $0x3;
	[sflag:s30] =	ssyncset.done $0x0  }
0x5d: {  	s6 =	sadd.s32 s1, s10;
	[sflag:s30] =	ssyncadd.s32 $0xFFFFFFC0  }
0x5e: {  	[tilespmem:s26], [sflag:$0x1] =	stream.linear.gather [hbm4b:s6+s4], $0x40, $0x38;
	[tilespmem:$0x4890] =	vst v63  }
0x5f: {  	_ = 	snop  }
0x60: {  	[spmem:s3] =	stream.indirect.scatter.add.f32 [tilespmem:s24], [sflag:$0x3], $0x10, s28, s29, $0xb8;
	[tilespmem:$0x4890] =	vst v63  }
0x61: {  	_ =	swait.ge [sflag:s25], $0x400  }
0x62: {  	[sflag:s25] =	ssyncset.done $0x0  }
0x63: {  	[sflag:s25] =	ssyncadd.s32 $0xFFFFFC00  }
0x64: {  	s7 =	simm.s32 $0x10;
	_ =	swait.ge [sflag:s31], $0x40  }
0x65: {  	s8 =	simm.s32 $0x20;
	s6 =	sadd.s32 $0x80, s22;
	[sflag:s31] =	ssyncset.done $0x0  }
.LBB2_6:
0x66: {  	s9 =	sadd.s32 s7, s23  }
0x67: {  	[sflag:s31] =	ssyncadd.s32 $0xFFFFFFC0;
	s7 =	smov.u32 s8;
	s10 =	sadd.s32 $0x10, s8  }
0x68: {  	[tilespmem:s28], [sflag:$0x2] =	stream.linear.gather [hbm4b:s9+s4], $0x40, $0x38;
	[tilespmem:$0x4890] =	vst v63  }
0x69: {  	p1 =	sne.s32 s8, $0x4C0  }
0x6a: {  	[spmem:s3] =	stream.indirect.scatter.add.f32 [tilespmem:s24], [sflag:$0x3], $0x10, s26, s29, $0xb8;
	[tilespmem:$0x4890] =	vst v63  }
0x6b: {  	_ =	swait.ge [sflag:s25], $0x400  }
0x6c: {  	[sflag:s25] =	ssyncset.done $0x0  }
0x6d: {  	[sflag:s25] =	ssyncadd.s32 $0xFFFFFC00  }
0x6e: {  	_ =	swait.ge [sflag:s30], $0x40  }
0x6f: {  	s8 =	sshrl.u32 s6, $0x3;
	[sflag:s30] =	ssyncset.done $0x0  }
0x70: {  	s8 =	sadd.s32 s1, s8;
	[sflag:s30] =	ssyncadd.s32 $0xFFFFFFC0  }
0x71: {  	[tilespmem:s26], [sflag:$0x1] =	stream.linear.gather [hbm4b:s8+s4], $0x40, $0x38;
	[tilespmem:$0x4890] =	vst v63  }
0x72: {  	_ = 	snop  }
0x73: {  	[spmem:s3] =	stream.indirect.scatter.add.f32 [tilespmem:s24], [sflag:$0x3], $0x10, s28, s29, $0xb8;
	[tilespmem:$0x4890] =	vst v63  }
.Ltmp2:
0x74: {  	_ =	swait.ge [sflag:s25], $0x400;
	(pc) =	sbr.rel @p1 .LBB2_6-.Ltmp2, $4  }
0x75: {  	[sflag:s25] =	ssyncset.done $0x0  }
0x76: {  	[sflag:s25] =	ssyncadd.s32 $0xFFFFFC00  }
0x77: {  	_ =	swait.ge [sflag:s31], $0x40  }
0x78: {  	s6 =	sadd.s32 $0x80, s6;
	s8 =	smov.u32 s10;
	[sflag:s31] =	ssyncset.done $0x0  }
0x79: {  	s7 =	sadd.s32 s7, s23;
	[sflag:s31] =	ssyncadd.s32 $0xFFFFFFC0  }
0x7a: {  	[tilespmem:s28], [sflag:$0x2] =	stream.linear.gather [hbm4b:s7+s4], $0x40, $0x38;
	[tilespmem:$0x4890] =	vst v63  }
0x7b: {  	_ = 	snop  }
0x7c: {  	[spmem:s3] =	stream.indirect.scatter.add.f32 [tilespmem:s24], [sflag:$0x3], $0x10, s26, s29, $0xb8;
	[tilespmem:$0x4890] =	vst v63  }
0x7d: {  	_ =	swait.ge [sflag:s25], $0x400  }
0x7e: {  	[sflag:s25] =	ssyncset.done $0x0  }
0x7f: {  	[sflag:s25] =	ssyncadd.s32 $0xFFFFFC00  }
0x80: {  	_ =	swait.ge [sflag:s30], $0x40  }
0x81: {  	s6 =	sshrl.u32 s6, $0x3;
	[sflag:s30] =	ssyncset.done $0x0  }
0x82: {  	s6 =	sadd.s32 s1, s6;
	[sflag:s30] =	ssyncadd.s32 $0xFFFFFFC0  }
0x83: {  	[tilespmem:s26], [sflag:$0x1] =	stream.linear.gather [hbm4b:s6+s4], $0x40, $0x38;
	[tilespmem:$0x4890] =	vst v63  }
0x84: {  	_ = 	snop  }
0x85: {  	[spmem:s3] =	stream.indirect.scatter.add.f32 [tilespmem:s24], [sflag:$0x3], $0x10, s28, s29, $0xb8;
	[tilespmem:$0x4890] =	vst v63  }
0x86: {  	_ =	swait.ge [sflag:s25], $0x400  }
0x87: {  	[sflag:s25] =	ssyncset.done $0x0  }
0x88: {  	[sflag:s25] =	ssyncadd.s32 $0xFFFFFC00  }
0x89: {  	_ =	swait.ge [sflag:s31], $0x40  }
0x8a: {  	[sflag:s31] =	ssyncset.done $0x0  }
0x8b: {  	[sflag:s31] =	ssyncadd.s32 $0xFFFFFFC0  }
0x8c: {  	[tilespmem:s28], [sflag:$0x2] =	stream.linear.gather [hbm4b:s21+s4], $0x40, $0x38;
	[tilespmem:$0x4890] =	vst v63  }
0x8d: {  	_ = 	snop  }
0x8e: {  	[spmem:s3] =	stream.indirect.scatter.add.f32 [tilespmem:s24], [sflag:$0x3], $0x10, s26, s29, $0xb8;
	[tilespmem:$0x4890] =	vst v63  }
0x8f: {  	_ =	swait.ge [sflag:s25], $0x400  }
0x90: {  	[sflag:s25] =	ssyncset.done $0x0  }
0x91: {  	[sflag:s25] =	ssyncadd.s32 $0xFFFFFC00  }
0x92: {  	_ =	swait.ge [sflag:s30], $0x40  }
0x93: {  	[sflag:s30] =	ssyncset.done $0x0  }
0x94: {  	[sflag:s30] =	ssyncadd.s32 $0xFFFFFFC0  }
0x95: {  	[spmem:s3] =	stream.indirect.scatter.add.f32 [tilespmem:s24], [sflag:$0x3], $0x10, s28, s29, $0xb8;
	[tilespmem:$0x4890] =	vst v63  }
0x96: {  	_ =	swait.ge [sflag:s25], $0x400  }
0x97: {  	[sflag:s25] =	ssyncset.done $0x0  }
0x98: {  	[sflag:s25] =	ssyncadd.s32 $0xFFFFFC00  }
0x99: {  	[tilespmem:s0], [sflag:$0x3] =	stream.linear.gather [hbm4b:s17+s4], $0x10, $0x38;
	[tilespmem:$0x4890] =	vst v63  }
0x9a: {  	_ =	swait.ge [sflag:s25], $0x10  }
0x9b: {  	[sflag:s25] =	ssyncset.done $0x0  }
0x9c: {  	s8 =	simm.s32 $0x10;
	[sflag:s25] =	ssyncadd.s32 $0xFFFFFFF0  }
0x9d: {  	[spmem:s3] =	stream.indirect.scatter.add.f32 [tilespmem:s24], [sflag:$0x3], $0x10, s0, s8, $0xb8;
	[tilespmem:$0x4890] =	vst v63  }
0x9e: {  	_ =	swait.ge [sflag:s25], $0x100  }
0x9f: {  	s9 =	stileid.u32;
	[sflag:s25] =	ssyncset.done $0x0  }
0xa0: {  	s6 =	sshll.u32 s9, $0x6;
	[sflag:s25] =	ssyncadd.s32 $0xFFFFFF00  }
0xa1: {  	s10 =	sshrl.u32 s5, $0x3;
	s6 =	sor.u32 $0x1C03, s6;
	[bflag:$0x0] =	sbarrier.arrive $0xFFFF  }
0xa2: {  	[hbm:s18], [sflag:s6] =	dma.local [spmem:s10], $0x2700  }
0xa3: {  	_ =	swait.ge [sflag:s25], $0x2700  }
0xa4: {  	s2 =	sadd.s32 $0x1, s2;
	[sflag:s25] =	ssyncset.done $0x0  }
0xa5: {  	s7 =	sshrl.u32 @!p0 s15, $0x3;
	p1 =	sne.s32 s2, s20;
	[sflag:s25] =	ssyncadd.s32 $0xFFFFD900  }
0xa6: {  	[hbm:s19], [sflag:s6] =	dma.local @!p0 [spmem:s7], $0x100  }
.Ltmp3:
0xa7: {  	_ = 	snop;
	(pc) =	sbr.rel @p1 .LBB2_1-.Ltmp3, $4  }
0xa8: {  	s6 =	simm.s32 @!p0 $0x3  }
0xa9: {  	_ =	swait.ge @!p0 [sflag:s6], $0x100  }
0xaa: {  	[sflag:s6] =	ssyncset.done @!p0 $0x0  }
0xab: {  	[sflag:s6] =	ssyncadd.s32 @!p0 $0xFFFFFF00  }
0xac: {  	_ =	sfence.sel $0x180000  }
0xad: {  	[bflag:$0x0] =	sbarrier.arrive $0xFFFF  }
0xae: {  	_ =	strace $0x90000047  }
0xaf: {  	s0 =	stileid.u32;
	[bflag:$0x2] =	sbarrier.arrive $0xFFFF  }
0xb0: {  	p0 =	sne.s32 s0, $0x0;
	s0 =	rddreg [dreg:$0x3]  }
0xb1: {  	s0 =	sadd.s32 @!p0 $0x100000, s0  }
0xb2: {  	[sflag:s0] =	ssyncadd.tile.s32 @!p0 $0x1;
	_ =	shalt  }
.Lfunc_end2:
_tile_overlayer_lowered:
.L_overlay_start_2:
0xb3: {  	(tag) =	ssettag $0x2  }
0xb4: {  	s0 =	rddreg [dreg:$0x0];
	s2 =	stileid.u32  }
0xb5: {  	s1 =	rddreg [dreg:$0x1];
	p0 =	sne.s32 s2, $0x0  }
0xb6: {  	s3 =	rddreg [dreg:$0x2];
	[bflag:$0x3] =	sbarrier.arrive $0xFFFF;
	s2 =	simm.s32 @!p0 $0x1C03  }
0xb7: {  	[timem:s3], [sflag:s2] =	dma.local @!p0 [hbm:s0], s1  }
0xb8: {  	s0 =	simm.s32 @!p0 $0x3  }
0xb9: {  	_ =	swait.ge @!p0 [sflag:s0], s1  }
0xba: {  	s1 =	ssub.s32 @!p0 $0x0, s1;
	[sflag:s0] =	ssyncset.done @!p0 $0x0  }
0xbb: {  	[sflag:s0] =	ssyncadd.s32 @!p0 s1  }
0xbc: {  	[bflag:$0x3] =	sbarrier.arrive $0xFFFF  }
0xbd: {  	_ =	shalt  }

</sc_bundles>
